<compile_context>
chip_gen: v7x
topology: tpu7x:2x2x1
jax: 0.10.2.dev20260603
libtpu: 0.0.44.dev20260713+nightly
codegen_flags: <defaults>
</compile_context>

<pallas_src>
import functools

import jax
import jax.numpy as jnp
from jax import lax
from jax.experimental import pallas as pl
from jax.experimental.pallas import tpu as pltpu
from jax.experimental.pallas import tpu_sc as plsc

_D = 64
_B = 4096
_S = 200
_LN = 128
_SL = 8
_LNP = _LN + 1
_NC, _NS = 2, 16
_NW = _NC * _NS
_NTI = _D // _SL
_NTJ = _B // _LN
_NU = _S * _NTJ
_UPW = _NU // _NW
_PPW = _UPW // 2


@functools.cache
def _lookup_call():
    mesh = plsc.VectorSubcoreMesh(core_axis_name="c", subcore_axis_name="s")

    @functools.partial(
        pl.kernel,
        out_type=jax.ShapeDtypeStruct((_S, _NTI, _NTJ, _SL, _LN), jnp.float32),
        mesh=mesh,
        scratch_types=[
            pltpu.VMEM((_UPW * _LN,), jnp.int32),
            pltpu.VMEM((2 * _LN, _D), jnp.float32),
            pltpu.VMEM((2 * _LN, _D), jnp.float32),
            pltpu.VMEM((2, _NTI, _SL, _LNP), jnp.float32),
            pltpu.VMEM((2, _NTI, _SL, _LNP), jnp.float32),
            pltpu.SemaphoreType.DMA,
            pltpu.SemaphoreType.DMA,
            pltpu.SemaphoreType.DMA,
            pltpu.SemaphoreType.DMA,
        ],
        compiler_params=pltpu.CompilerParams(
            use_tc_tiling_on_sc=False, needs_layout_passes=False),
    )
    def k(idx_hbm, table_hbm, out_hbm, idx_v, gb0, gb1, tb0, tb1,
          g0, g1, s0, s1):
        wid = lax.axis_index("s") * _NC + lax.axis_index("c")
        u0 = wid * _UPW
        gbuf = (gb0, gb1)
        tbuf = (tb0, tb1)
        gsem = (g0, g1)
        ssem = (s0, s1)
        iota16 = lax.iota(jnp.int32, 16)
        tivecs = [(iota16 + 16 * u) >> 3 for u in range(_D // 16)]
        slvecs = [(iota16 + 16 * u) & (_SL - 1) for u in range(_D // 16)]

        pltpu.sync_copy(idx_hbm.at[pl.ds(u0 * _LN, _UPW * _LN)], idx_v)

        def gather_pair(q, b):
            pltpu.async_copy(
                table_hbm.at[idx_v.at[pl.ds(q * 2 * _LN, 2 * _LN)]],
                gbuf[b], gsem[b])

        def drain_store(b):
            pltpu.make_async_copy(
                tbuf[b].at[0, pl.ds(0, _NTI), pl.ds(0, _SL), pl.ds(0, _LN)],
                out_hbm.at[0, pl.ds(0, _NTI), 0], ssem[b]).wait()

        for b in range(2):
            gather_pair(b, b)

        @pl.loop(0, _PPW // 2)
        def _(p):
            for b in range(2):
                q = p * 2 + b
                u = u0 + 2 * q
                s = u // _NTJ
                tj = u - s * _NTJ

                @pl.when(p > 0)
                def _():
                    drain_store(b)
                    drain_store(b)

                pltpu.make_async_copy(
                    table_hbm.at[idx_v.at[pl.ds(0, 2 * _LN)]],
                    gbuf[b], gsem[b]).wait()

                @plsc.parallel_loop(0, 2 * _LN, unroll=4)
                def _(r):
                    j = r >> 7
                    ln = r & (_LN - 1)
                    jvec = jax.lax.broadcast_in_dim(j, (16,), ())
                    lnvec = jax.lax.broadcast_in_dim(ln, (16,), ())
                    for u in range(_D // 16):
                        v = gbuf[b][r, pl.ds(16 * u, 16)]
                        plsc.store_scatter(
                            tbuf[b], [jvec, tivecs[u], slvecs[u], lnvec], v)

                @pl.when(q < _PPW - 2)
                def _():
                    gather_pair(q + 2, b)

                for j in range(2):
                    pltpu.async_copy(
                        tbuf[b].at[j, pl.ds(0, _NTI), pl.ds(0, _SL),
                                   pl.ds(0, _LN)],
                        out_hbm.at[s, pl.ds(0, _NTI), tj + j], ssem[b])

        for b in range(2):
            drain_store(b)
            drain_store(b)

    return k


def kernel(token_ids, embedding_matrix):
    idx = (token_ids.T.reshape(_NU, _LN) * 2).reshape(_NU * _LN)
    table_padded = jnp.pad(embedding_matrix, ((0, 0), (0, _LN - _D)))
    table2 = table_padded.reshape(2 * embedding_matrix.shape[0], _D)
    out5 = _lookup_call()(idx, table2)
    return out5.transpose(2, 4, 0, 1, 3).reshape(_B, _S, _D)

# --- scband reference (transcript-rebuilt; emitter-appended) ---
"""Pipeline reference for scband-embedding-42657615184572 (READ-ONLY COPY).

The authoritative reference and input builder live on the scoring server;
editing this copy changes nothing except your own understanding.
"""

import jax, jax.numpy as jnp
import numpy as np

NUM_EMBEDDINGS = 1000000
EMBEDDING_DIM = 64
BATCH = 4096
SEQ = 200

def setup_inputs(seed: int = 0) -> dict:
    key = jax.random.key(seed)
    k_idx, k_w = jax.random.split(key)
    token_ids = jax.random.randint(k_idx, (BATCH, SEQ), 0, NUM_EMBEDDINGS, dtype=jnp.int64 if jax.config.jax_enable_x64 else jnp.int32)
    std = 1.0 / (EMBEDDING_DIM ** 0.5)
    # trunc_normal_(mean=0, std=std, a=-3, b=-3..3): torch bounds are in value space,
    # so truncation bounds in unit-normal space are a/std, b/std
    embedding_matrix = jax.random.truncated_normal(k_w, -3.0 / std, 3.0 / std, (NUM_EMBEDDINGS, EMBEDDING_DIM), dtype=jnp.float32) * std
    return {"token_ids": token_ids, "embedding_matrix": embedding_matrix}

def reference(token_ids, embedding_matrix):
    # Faithful to: return self.embedding_matrix[token_ids]
    return jnp.take(embedding_matrix, token_ids, axis=0)

if __name__ == "__main__":
    import jax
    _d = setup_inputs()
    print(jax.jit(kernel)(*tuple(_d.values())))

</pallas_src>

<mosaic_0001>
#map = affine_map<(d0, d1) -> (0)>
#map1 = affine_map<(d0, d1) -> (0, 0)>
#map2 = affine_map<(d0, d1) -> (0, 0, 0, 0, 0)>
module attributes {stable_mosaic.version = 14 : i64} {
  func.func @k(%arg0: i32, %arg1: i32, %arg2: memref<819200xi32, #tpu.memory_space<hbm>>, %arg3: memref<2000000x64xf32, #tpu.memory_space<hbm>>, %arg4: memref<200x8x32x8x128xf32, #tpu.memory_space<hbm>>, %arg5: memref<25600xi32, #tpu.memory_space<vmem>>, %arg6: memref<256x64xf32, #tpu.memory_space<vmem>>, %arg7: memref<256x64xf32, #tpu.memory_space<vmem>>, %arg8: memref<2x8x8x129xf32, #tpu.memory_space<vmem>>, %arg9: memref<2x8x8x129xf32, #tpu.memory_space<vmem>>, %arg10: memref<!tpu.dma_semaphore, #tpu.memory_space<semaphore_mem>>, %arg11: memref<!tpu.dma_semaphore, #tpu.memory_space<semaphore_mem>>, %arg12: memref<!tpu.dma_semaphore, #tpu.memory_space<semaphore_mem>>, %arg13: memref<!tpu.dma_semaphore, #tpu.memory_space<semaphore_mem>>) attributes {dimension_semantics = [#tpu.dimension_semantics<core_parallel>, #tpu.dimension_semantics<subcore_parallel>], iteration_bounds = array<i64: 2, 16>, scalar_prefetch = 0 : i64, scratch_operands = 9 : i64, tpu.core_type = #tpu.core_type<sc_vector_subcore>, window_params = [{transform_indices = #map}, {transform_indices = #map1}, {transform_indices = #map2}]} {
    %mul3A = arith.constant 2 : i32
    %mul3A_0 = arith.muli %arg1, %mul3A : i32
    %add3A = arith.addi %mul3A_0, %arg0 : i32
    %mul3A_1 = arith.constant 200 : i32
    %mul3A_2 = arith.muli %add3A, %mul3A_1 : i32
    %iota3A = tpu.iota {dimensions = array<i32: 0>} : vector<16xi32>
    %add3A_3 = arith.constant 0 : i32
    %add3A_4 = vector.broadcast %add3A_3 : i32 to vector<16xi32>
    %add3A_5 = arith.addi %iota3A, %add3A_4 : vector<16xi32>
    %shift_right_arithmetic3A = arith.constant 3 : i32
    %shift_right_arithmetic3A_6 = vector.broadcast %shift_right_arithmetic3A : i32 to vector<16xi32>
    %shift_right_arithmetic3A_7 = arith.shrsi %add3A_5, %shift_right_arithmetic3A_6 : vector<16xi32>
    %add3A_8 = arith.constant 16 : i32
    %add3A_9 = vector.broadcast %add3A_8 : i32 to vector<16xi32>
    %add3A_10 = arith.addi %iota3A, %add3A_9 : vector<16xi32>
    %shift_right_arithmetic3A_11 = arith.constant 3 : i32
    %shift_right_arithmetic3A_12 = vector.broadcast %shift_right_arithmetic3A_11 : i32 to vector<16xi32>
    %shift_right_arithmetic3A_13 = arith.shrsi %add3A_10, %shift_right_arithmetic3A_12 : vector<16xi32>
    %add3A_14 = arith.constant 32 : i32
    %add3A_15 = vector.broadcast %add3A_14 : i32 to vector<16xi32>
    %add3A_16 = arith.addi %iota3A, %add3A_15 : vector<16xi32>
    %shift_right_arithmetic3A_17 = arith.constant 3 : i32
    %shift_right_arithmetic3A_18 = vector.broadcast %shift_right_arithmetic3A_17 : i32 to vector<16xi32>
    %shift_right_arithmetic3A_19 = arith.shrsi %add3A_16, %shift_right_arithmetic3A_18 : vector<16xi32>
    %add3A_20 = arith.constant 48 : i32
    %add3A_21 = vector.broadcast %add3A_20 : i32 to vector<16xi32>
    %add3A_22 = arith.addi %iota3A, %add3A_21 : vector<16xi32>
    %shift_right_arithmetic3A_23 = arith.constant 3 : i32
    %shift_right_arithmetic3A_24 = vector.broadcast %shift_right_arithmetic3A_23 : i32 to vector<16xi32>
    %shift_right_arithmetic3A_25 = arith.shrsi %add3A_22, %shift_right_arithmetic3A_24 : vector<16xi32>
    %add3A_26 = arith.constant 0 : i32
    %add3A_27 = vector.broadcast %add3A_26 : i32 to vector<16xi32>
    %add3A_28 = arith.addi %iota3A, %add3A_27 : vector<16xi32>
    %and3A = arith.constant 7 : i32
    %and3A_29 = vector.broadcast %and3A : i32 to vector<16xi32>
    %and3A_30 = arith.andi %add3A_28, %and3A_29 : vector<16xi32>
    %add3A_31 = arith.constant 16 : i32
    %add3A_32 = vector.broadcast %add3A_31 : i32 to vector<16xi32>
    %add3A_33 = arith.addi %iota3A, %add3A_32 : vector<16xi32>
    %and3A_34 = arith.constant 7 : i32
    %and3A_35 = vector.broadcast %and3A_34 : i32 to vector<16xi32>
    %and3A_36 = arith.andi %add3A_33, %and3A_35 : vector<16xi32>
    %add3A_37 = arith.constant 32 : i32
    %add3A_38 = vector.broadcast %add3A_37 : i32 to vector<16xi32>
    %add3A_39 = arith.addi %iota3A, %add3A_38 : vector<16xi32>
    %and3A_40 = arith.constant 7 : i32
    %and3A_41 = vector.broadcast %and3A_40 : i32 to vector<16xi32>
    %and3A_42 = arith.andi %add3A_39, %and3A_41 : vector<16xi32>
    %add3A_43 = arith.constant 48 : i32
    %add3A_44 = vector.broadcast %add3A_43 : i32 to vector<16xi32>
    %add3A_45 = arith.addi %iota3A, %add3A_44 : vector<16xi32>
    %and3A_46 = arith.constant 7 : i32
    %and3A_47 = vector.broadcast %and3A_46 : i32 to vector<16xi32>
    %and3A_48 = arith.andi %add3A_45, %and3A_47 : vector<16xi32>
    %mul3A_49 = arith.constant 128 : i32
    %mul3A_50 = arith.muli %mul3A_2, %mul3A_49 : i32
    "tpu.region"() ({
      %run_scoped3A = tpu.sem_alloc : memref<!tpu.dma_semaphore, #tpu.memory_space<semaphore_mem>>
      %dma_start3A_155 = tpu.memref_slice %arg2[%mul3A_50] : memref<819200xi32, #tpu.memory_space<hbm>> -> memref<25600xi32, #tpu.memory_space<hbm>>
      %dma_start3A_156 = tpu.memref_slice %arg2[%mul3A_50] : memref<819200xi32, #tpu.memory_space<hbm>> -> memref<25600xi32, #tpu.memory_space<hbm>>
      tpu.enqueue_dma source(%dma_start3A_156 : memref<25600xi32, #tpu.memory_space<hbm>>) target(%arg5 : memref<25600xi32, #tpu.memory_space<vmem>>) target_semaphore(%run_scoped3A : memref<!tpu.dma_semaphore, #tpu.memory_space<semaphore_mem>>)
      %dma_wait3A_157 = tpu.memref_slice %arg2[%mul3A_50] : memref<819200xi32, #tpu.memory_space<hbm>> -> memref<25600xi32, #tpu.memory_space<hbm>>
      %dma_wait3A_158 = tpu.memref_slice %arg2[%mul3A_50] : memref<819200xi32, #tpu.memory_space<hbm>> -> memref<25600xi32, #tpu.memory_space<hbm>>
      tpu.wait_dma2 semaphore(%run_scoped3A : memref<!tpu.dma_semaphore, #tpu.memory_space<semaphore_mem>>) src(%dma_wait3A_158 : memref<25600xi32, #tpu.memory_space<hbm>>) dst(%arg5 : memref<25600xi32, #tpu.memory_space<vmem>>)
      tpu.yield
    }) : () -> ()
    %dma_start3A = arith.constant 0 : i32
    %dma_start3A_51 = tpu.memref_slice %arg5[%dma_start3A] : memref<25600xi32, #tpu.memory_space<vmem>> -> memref<256xi32, #tpu.memory_space<vmem>>
    %dma_start3A_52 = arith.constant 0 : i32
    %dma_start3A_53 = arith.constant 0 : i32
    %dma_start3A_54 = tpu.memref_slice %arg3[%dma_start3A_52, %dma_start3A_53] : memref<2000000x64xf32, #tpu.memory_space<hbm>> -> memref<2000000x64xf32, #tpu.memory_space<hbm>>
    tpu.enqueue_indirect_dma source(%dma_start3A_54 : memref<2000000x64xf32, #tpu.memory_space<hbm>>) target(%arg6 : memref<256x64xf32, #tpu.memory_space<vmem>>) offsets(%dma_start3A_51 : memref<256xi32, #tpu.memory_space<vmem>>) semaphore(%arg10 : memref<!tpu.dma_semaphore, #tpu.memory_space<semaphore_mem>>)
    %dma_start3A_55 = arith.constant 256 : i32
    %dma_start3A_56 = tpu.memref_slice %arg5[%dma_start3A_55] : memref<25600xi32, #tpu.memory_space<vmem>> -> memref<256xi32, #tpu.memory_space<vmem>>
    %dma_start3A_57 = arith.constant 0 : i32
    %dma_start3A_58 = arith.constant 0 : i32
    %dma_start3A_59 = tpu.memref_slice %arg3[%dma_start3A_57, %dma_start3A_58] : memref<2000000x64xf32, #tpu.memory_space<hbm>> -> memref<2000000x64xf32, #tpu.memory_space<hbm>>
    tpu.enqueue_indirect_dma source(%dma_start3A_59 : memref<2000000x64xf32, #tpu.memory_space<hbm>>) target(%arg7 : memref<256x64xf32, #tpu.memory_space<vmem>>) offsets(%dma_start3A_56 : memref<256xi32, #tpu.memory_space<vmem>>) semaphore(%arg11 : memref<!tpu.dma_semaphore, #tpu.memory_space<semaphore_mem>>)
    %scan3A = arith.constant 0 : i32
    %scan3A_60 = arith.constant 50 : i32
    %scan3A_61 = arith.addi %scan3A, %scan3A_60 : i32
    %scan3A_62 = arith.constant 1 : i32
    scf.for %scan3A_155 = %scan3A to %scan3A_61 step %scan3A_62  : i32 {
      %mul3A_156 = arith.constant 1 : i32
      %mul3A_157 = arith.muli %scan3A_155, %mul3A_156 : i32
      %add3A_158 = arith.constant 0 : i32
      %add3A_159 = arith.addi %add3A_158, %mul3A_157 : i32
      %mul3A_160 = arith.constant 2 : i32
      %mul3A_161 = arith.muli %add3A_159, %mul3A_160 : i32
      %add3A_162 = arith.constant 0 : i32
      %add3A_163 = arith.addi %mul3A_161, %add3A_162 : i32
      %mul3A_164 = arith.constant 2 : i32
      %mul3A_165 = arith.muli %mul3A_164, %add3A_163 : i32
      %add3A_166 = arith.addi %mul3A_2, %mul3A_165 : i32
      %jit3A = arith.constant 32 : i32
      %div3A = arith.divsi %add3A_166, %jit3A : i32
      %sign3A = arith.constant 0 : i32
      %sign3A_167 = arith.cmpi sgt, %add3A_166, %sign3A : i32
      %sign3A_168 = arith.extui %sign3A_167 : i1 to i32
      %sign3A_169 = arith.constant 0 : i32
      %sign3A_170 = arith.cmpi slt, %add3A_166, %sign3A_169 : i32
      %sign3A_171 = arith.extui %sign3A_170 : i1 to i32
      %sign3A_172 = arith.subi %sign3A_168, %sign3A_171 : i32
      %sign3A_173 = arith.constant 0 : i32
      %sign3A_174 = arith.cmpi sgt, %jit3A, %sign3A_173 : i32
      %sign3A_175 = arith.extui %sign3A_174 : i1 to i32
      %sign3A_176 = arith.constant 0 : i32
      %sign3A_177 = arith.cmpi slt, %jit3A, %sign3A_176 : i32
      %sign3A_178 = arith.extui %sign3A_177 : i1 to i32
      %sign3A_179 = arith.subi %sign3A_175, %sign3A_178 : i32
      %ne3A = arith.cmpi ne, %sign3A_172, %sign3A_179 : i32
      %rem3A = arith.remsi %add3A_166, %jit3A : i32
      %ne3A_180 = arith.constant 0 : i32
      %ne3A_181 = arith.cmpi ne, %rem3A, %ne3A_180 : i32
      %and3A_182 = arith.andi %ne3A, %ne3A_181 : i1
      %sub3A = arith.constant 1 : i32
      %sub3A_183 = arith.subi %div3A, %sub3A : i32
      %select_n3A = arith.select %and3A_182, %sub3A_183, %div3A : i32
      %mul3A_184 = arith.constant 32 : i32
      %mul3A_185 = arith.muli %select_n3A, %mul3A_184 : i32
      %sub3A_186 = arith.subi %add3A_166, %mul3A_185 : i32
      %gt3A = arith.constant 0 : i32
      %gt3A_187 = arith.cmpi sgt, %add3A_159, %gt3A : i32
      %convert_element_type3A = arith.extui %gt3A_187 : i1 to i32
      %cond3A = arith.constant 0 : i32
      %cond3A_188 = arith.cmpi ne, %convert_element_type3A, %cond3A : i32
      scf.if %cond3A_188 {
        %dma_wait3A_344 = arith.constant 0 : i32
        %dma_wait3A_345 = arith.constant 0 : i32
        %dma_wait3A_346 = arith.constant 0 : i32
        %dma_wait3A_347 = arith.constant 0 : i32
        %dma_wait3A_348 = arith.constant 0 : i32
        %dma_wait3A_349 = arith.constant 0 : i32
        %dma_wait3A_350 = tpu.memref_slice %arg8[%dma_wait3A_344, %dma_wait3A_347, %dma_wait3A_348, %dma_wait3A_349] : memref<2x8x8x129xf32, #tpu.memory_space<vmem>> -> memref<1x8x8x128xf32, #tpu.memory_space<vmem>>
        %dma_wait3A_351 = tpu.memref_squeeze %dma_wait3A_350 : memref<1x8x8x128xf32, #tpu.memory_space<vmem>> -> memref<8x8x128xf32, #tpu.memory_space<vmem>>
        %dma_wait3A_352 = arith.constant 0 : i32
        %dma_wait3A_353 = arith.constant 0 : i32
        %dma_wait3A_354 = arith.constant 0 : i32
        %dma_wait3A_355 = tpu.memref_slice %arg4[%dma_wait3A_345, %dma_wait3A_352, %dma_wait3A_346, %dma_wait3A_353, %dma_wait3A_354] : memref<200x8x32x8x128xf32, #tpu.memory_space<hbm>> -> memref<1x8x1x8x128xf32, #tpu.memory_space<hbm>>
        %dma_wait3A_356 = tpu.memref_squeeze %dma_wait3A_355 : memref<1x8x1x8x128xf32, #tpu.memory_space<hbm>> -> memref<8x8x128xf32, #tpu.memory_space<hbm>>
        %dma_wait3A_357 = arith.constant 0 : i32
        %dma_wait3A_358 = arith.constant 0 : i32
        %dma_wait3A_359 = arith.constant 0 : i32
        %dma_wait3A_360 = tpu.memref_slice %arg4[%dma_wait3A_345, %dma_wait3A_357, %dma_wait3A_346, %dma_wait3A_358, %dma_wait3A_359] : memref<200x8x32x8x128xf32, #tpu.memory_space<hbm>> -> memref<1x8x1x8x128xf32, #tpu.memory_space<hbm>>
        %dma_wait3A_361 = tpu.memref_squeeze %dma_wait3A_360 : memref<1x8x1x8x128xf32, #tpu.memory_space<hbm>> -> memref<8x8x128xf32, #tpu.memory_space<hbm>>
        %dma_wait3A_362 = arith.constant 0 : i32
        %dma_wait3A_363 = arith.constant 0 : i32
        %dma_wait3A_364 = arith.constant 0 : i32
        %dma_wait3A_365 = tpu.memref_slice %arg8[%dma_wait3A_344, %dma_wait3A_362, %dma_wait3A_363, %dma_wait3A_364] : memref<2x8x8x129xf32, #tpu.memory_space<vmem>> -> memref<1x8x8x128xf32, #tpu.memory_space<vmem>>
        %dma_wait3A_366 = tpu.memref_squeeze %dma_wait3A_365 : memref<1x8x8x128xf32, #tpu.memory_space<vmem>> -> memref<8x8x128xf32, #tpu.memory_space<vmem>>
        tpu.wait_dma2 semaphore(%arg12 : memref<!tpu.dma_semaphore, #tpu.memory_space<semaphore_mem>>) src(%dma_wait3A_366 : memref<8x8x128xf32, #tpu.memory_space<vmem>>) dst(%dma_wait3A_361 : memref<8x8x128xf32, #tpu.memory_space<hbm>>)
        %dma_wait3A_367 = arith.constant 0 : i32
        %dma_wait3A_368 = arith.constant 0 : i32
        %dma_wait3A_369 = arith.constant 0 : i32
        %dma_wait3A_370 = arith.constant 0 : i32
        %dma_wait3A_371 = arith.constant 0 : i32
        %dma_wait3A_372 = arith.constant 0 : i32
        %dma_wait3A_373 = tpu.memref_slice %arg8[%dma_wait3A_367, %dma_wait3A_370, %dma_wait3A_371, %dma_wait3A_372] : memref<2x8x8x129xf32, #tpu.memory_space<vmem>> -> memref<1x8x8x128xf32, #tpu.memory_space<vmem>>
        %dma_wait3A_374 = tpu.memref_squeeze %dma_wait3A_373 : memref<1x8x8x128xf32, #tpu.memory_space<vmem>> -> memref<8x8x128xf32, #tpu.memory_space<vmem>>
        %dma_wait3A_375 = arith.constant 0 : i32
        %dma_wait3A_376 = arith.constant 0 : i32
        %dma_wait3A_377 = arith.constant 0 : i32
        %dma_wait3A_378 = tpu.memref_slice %arg4[%dma_wait3A_368, %dma_wait3A_375, %dma_wait3A_369, %dma_wait3A_376, %dma_wait3A_377] : memref<200x8x32x8x128xf32, #tpu.memory_space<hbm>> -> memref<1x8x1x8x128xf32, #tpu.memory_space<hbm>>
        %dma_wait3A_379 = tpu.memref_squeeze %dma_wait3A_378 : memref<1x8x1x8x128xf32, #tpu.memory_space<hbm>> -> memref<8x8x128xf32, #tpu.memory_space<hbm>>
        %dma_wait3A_380 = arith.constant 0 : i32
        %dma_wait3A_381 = arith.constant 0 : i32
        %dma_wait3A_382 = arith.constant 0 : i32
        %dma_wait3A_383 = tpu.memref_slice %arg4[%dma_wait3A_368, %dma_wait3A_380, %dma_wait3A_369, %dma_wait3A_381, %dma_wait3A_382] : memref<200x8x32x8x128xf32, #tpu.memory_space<hbm>> -> memref<1x8x1x8x128xf32, #tpu.memory_space<hbm>>
        %dma_wait3A_384 = tpu.memref_squeeze %dma_wait3A_383 : memref<1x8x1x8x128xf32, #tpu.memory_space<hbm>> -> memref<8x8x128xf32, #tpu.memory_space<hbm>>
        %dma_wait3A_385 = arith.constant 0 : i32
        %dma_wait3A_386 = arith.constant 0 : i32
        %dma_wait3A_387 = arith.constant 0 : i32
        %dma_wait3A_388 = tpu.memref_slice %arg8[%dma_wait3A_367, %dma_wait3A_385, %dma_wait3A_386, %dma_wait3A_387] : memref<2x8x8x129xf32, #tpu.memory_space<vmem>> -> memref<1x8x8x128xf32, #tpu.memory_space<vmem>>
        %dma_wait3A_389 = tpu.memref_squeeze %dma_wait3A_388 : memref<1x8x8x128xf32, #tpu.memory_space<vmem>> -> memref<8x8x128xf32, #tpu.memory_space<vmem>>
        tpu.wait_dma2 semaphore(%arg12 : memref<!tpu.dma_semaphore, #tpu.memory_space<semaphore_mem>>) src(%dma_wait3A_389 : memref<8x8x128xf32, #tpu.memory_space<vmem>>) dst(%dma_wait3A_384 : memref<8x8x128xf32, #tpu.memory_space<hbm>>)
      } else {
      }
      %dma_wait3A_189 = arith.constant 0 : i32
      %dma_wait3A_190 = tpu.memref_slice %arg5[%dma_wait3A_189] : memref<25600xi32, #tpu.memory_space<vmem>> -> memref<256xi32, #tpu.memory_space<vmem>>
      %dma_wait3A_191 = arith.constant 0 : i32
      %dma_wait3A_192 = arith.constant 0 : i32
      %dma_wait3A_193 = tpu.memref_slice %arg3[%dma_wait3A_191, %dma_wait3A_192] : memref<2000000x64xf32, #tpu.memory_space<hbm>> -> memref<2000000x64xf32, #tpu.memory_space<hbm>>
      tpu.wait_indirect_dma semaphore(%arg10 : memref<!tpu.dma_semaphore, #tpu.memory_space<semaphore_mem>>) src(%dma_wait3A_193 : memref<2000000x64xf32, #tpu.memory_space<hbm>>) dst(%arg6 : memref<256x64xf32, #tpu.memory_space<vmem>>)
      %parallel_loop3A = arith.constant 0 : i32
      %parallel_loop3A_194 = arith.constant 256 : i32
      %parallel_loop3A_195 = arith.constant 1 : i32
      scf.for %parallel_loop3A_344 = %parallel_loop3A to %parallel_loop3A_194 step %parallel_loop3A_195  : i32 {
        %parallel_loop3A_345 = arith.constant 7 : i32
        %parallel_loop3A_346 = arith.shrsi %parallel_loop3A_344, %parallel_loop3A_345 : i32
        %parallel_loop3A_347 = arith.constant 127 : i32
        %parallel_loop3A_348 = arith.andi %parallel_loop3A_344, %parallel_loop3A_347 : i32
        %parallel_loop3A_349 = vector.broadcast %parallel_loop3A_346 : i32 to vector<16xi32>
        %parallel_loop3A_350 = vector.broadcast %parallel_loop3A_348 : i32 to vector<16xi32>
        %parallel_loop3A_351 = arith.index_cast %parallel_loop3A_344 : i32 to index
        %parallel_loop3A_352 = arith.constant 0 : index
        %parallel_loop3A_353 = tpu.vector_load %arg6[%parallel_loop3A_351, %parallel_loop3A_352] {strides = array<i32>} : memref<256x64xf32, #tpu.memory_space<vmem>>, vector<16xf32>,
        tpu.vector_store_idx %arg8[%parallel_loop3A_349, %shift_right_arithmetic3A_7, %and3A_30, %parallel_loop3A_350], %parallel_loop3A_353 : memref<2x8x8x129xf32, #tpu.memory_space<vmem>>[vector<16xi32>, vector<16xi32>, vector<16xi32>, vector<16xi32>], vector<16xf32>,
        %parallel_loop3A_354 = arith.index_cast %parallel_loop3A_344 : i32 to index
        %parallel_loop3A_355 = arith.constant 16 : index
        %parallel_loop3A_356 = tpu.vector_load %arg6[%parallel_loop3A_354, %parallel_loop3A_355] {strides = array<i32>} : memref<256x64xf32, #tpu.memory_space<vmem>>, vector<16xf32>,
        tpu.vector_store_idx %arg8[%parallel_loop3A_349, %shift_right_arithmetic3A_13, %and3A_36, %parallel_loop3A_350], %parallel_loop3A_356 : memref<2x8x8x129xf32, #tpu.memory_space<vmem>>[vector<16xi32>, vector<16xi32>, vector<16xi32>, vector<16xi32>], vector<16xf32>,
        %parallel_loop3A_357 = arith.index_cast %parallel_loop3A_344 : i32 to index
        %parallel_loop3A_358 = arith.constant 32 : index
        %parallel_loop3A_359 = tpu.vector_load %arg6[%parallel_loop3A_357, %parallel_loop3A_358] {strides = array<i32>} : memref<256x64xf32, #tpu.memory_space<vmem>>, vector<16xf32>,
        tpu.vector_store_idx %arg8[%parallel_loop3A_349, %shift_right_arithmetic3A_19, %and3A_42, %parallel_loop3A_350], %parallel_loop3A_359 : memref<2x8x8x129xf32, #tpu.memory_space<vmem>>[vector<16xi32>, vector<16xi32>, vector<16xi32>, vector<16xi32>], vector<16xf32>,
        %parallel_loop3A_360 = arith.index_cast %parallel_loop3A_344 : i32 to index
        %parallel_loop3A_361 = arith.constant 48 : index
        %parallel_loop3A_362 = tpu.vector_load %arg6[%parallel_loop3A_360, %parallel_loop3A_361] {strides = array<i32>} : memref<256x64xf32, #tpu.memory_space<vmem>>, vector<16xf32>,
        tpu.vector_store_idx %arg8[%parallel_loop3A_349, %shift_right_arithmetic3A_25, %and3A_48, %parallel_loop3A_350], %parallel_loop3A_362 : memref<2x8x8x129xf32, #tpu.memory_space<vmem>>[vector<16xi32>, vector<16xi32>, vector<16xi32>, vector<16xi32>], vector<16xf32>,
      } {sc.loop_unroll_factor = 4 : i64, sc.parallel_access}
      %lt3A = arith.constant 98 : i32
      %lt3A_196 = arith.cmpi slt, %add3A_163, %lt3A : i32
      %convert_element_type3A_197 = arith.extui %lt3A_196 : i1 to i32
      %cond3A_198 = arith.constant 0 : i32
      %cond3A_199 = arith.cmpi ne, %convert_element_type3A_197, %cond3A_198 : i32
      scf.if %cond3A_199 {
        %add3A_344 = arith.constant 2 : i32
        %add3A_345 = arith.addi %add3A_163, %add3A_344 : i32
        %mul3A_346 = arith.constant 2 : i32
        %mul3A_347 = arith.muli %add3A_345, %mul3A_346 : i32
        %mul3A_348 = arith.constant 128 : i32
        %mul3A_349 = arith.muli %mul3A_347, %mul3A_348 : i32
        %dma_start3A_350 = tpu.memref_slice %arg5[%mul3A_349] : memref<25600xi32, #tpu.memory_space<vmem>> -> memref<256xi32, #tpu.memory_space<vmem>>
        %dma_start3A_351 = arith.constant 0 : i32
        %dma_start3A_352 = arith.constant 0 : i32
        %dma_start3A_353 = tpu.memref_slice %arg3[%dma_start3A_351, %dma_start3A_352] : memref<2000000x64xf32, #tpu.memory_space<hbm>> -> memref<2000000x64xf32, #tpu.memory_space<hbm>>
        tpu.enqueue_indirect_dma source(%dma_start3A_353 : memref<2000000x64xf32, #tpu.memory_space<hbm>>) target(%arg6 : memref<256x64xf32, #tpu.memory_space<vmem>>) offsets(%dma_start3A_350 : memref<256xi32, #tpu.memory_space<vmem>>) semaphore(%arg10 : memref<!tpu.dma_semaphore, #tpu.memory_space<semaphore_mem>>)
      } else {
      }
      %add3A_200 = arith.constant 0 : i32
      %add3A_201 = arith.addi %sub3A_186, %add3A_200 : i32
      %dma_start3A_202 = arith.constant 0 : i32
      %dma_start3A_203 = arith.constant 0 : i32
      %dma_start3A_204 = arith.constant 0 : i32
      %dma_start3A_205 = arith.constant 0 : i32
      %dma_start3A_206 = tpu.memref_slice %arg8[%dma_start3A_202, %dma_start3A_203, %dma_start3A_204, %dma_start3A_205] : memref<2x8x8x129xf32, #tpu.memory_space<vmem>> -> memref<1x8x8x128xf32, #tpu.memory_space<vmem>>
      %dma_start3A_207 = tpu.memref_squeeze %dma_start3A_206 : memref<1x8x8x128xf32, #tpu.memory_space<vmem>> -> memref<8x8x128xf32, #tpu.memory_space<vmem>>
      %dma_start3A_208 = arith.constant 0 : i32
      %dma_start3A_209 = arith.constant 0 : i32
      %dma_start3A_210 = arith.constant 0 : i32
      %dma_start3A_211 = tpu.memref_slice %arg4[%select_n3A, %dma_start3A_208, %add3A_201, %dma_start3A_209, %dma_start3A_210] : memref<200x8x32x8x128xf32, #tpu.memory_space<hbm>> -> memref<1x8x1x8x128xf32, #tpu.memory_space<hbm>>
      %dma_start3A_212 = tpu.memref_squeeze %dma_start3A_211 : memref<1x8x1x8x128xf32, #tpu.memory_space<hbm>> -> memref<8x8x128xf32, #tpu.memory_space<hbm>>
      %dma_start3A_213 = arith.constant 0 : i32
      %dma_start3A_214 = arith.constant 0 : i32
      %dma_start3A_215 = arith.constant 0 : i32
      %dma_start3A_216 = tpu.memref_slice %arg4[%select_n3A, %dma_start3A_213, %add3A_201, %dma_start3A_214, %dma_start3A_215] : memref<200x8x32x8x128xf32, #tpu.memory_space<hbm>> -> memref<1x8x1x8x128xf32, #tpu.memory_space<hbm>>
      %dma_start3A_217 = tpu.memref_squeeze %dma_start3A_216 : memref<1x8x1x8x128xf32, #tpu.memory_space<hbm>> -> memref<8x8x128xf32, #tpu.memory_space<hbm>>
      %dma_start3A_218 = arith.constant 0 : i32
      %dma_start3A_219 = arith.constant 0 : i32
      %dma_start3A_220 = arith.constant 0 : i32
      %dma_start3A_221 = tpu.memref_slice %arg8[%dma_start3A_202, %dma_start3A_218, %dma_start3A_219, %dma_start3A_220] : memref<2x8x8x129xf32, #tpu.memory_space<vmem>> -> memref<1x8x8x128xf32, #tpu.memory_space<vmem>>
      %dma_start3A_222 = tpu.memref_squeeze %dma_start3A_221 : memref<1x8x8x128xf32, #tpu.memory_space<vmem>> -> memref<8x8x128xf32, #tpu.memory_space<vmem>>
      tpu.enqueue_dma source(%dma_start3A_222 : memref<8x8x128xf32, #tpu.memory_space<vmem>>) target(%dma_start3A_217 : memref<8x8x128xf32, #tpu.memory_space<hbm>>) target_semaphore(%arg12 : memref<!tpu.dma_semaphore, #tpu.memory_space<semaphore_mem>>)
      %add3A_223 = arith.constant 1 : i32
      %add3A_224 = arith.addi %sub3A_186, %add3A_223 : i32
      %dma_start3A_225 = arith.constant 1 : i32
      %dma_start3A_226 = arith.constant 0 : i32
      %dma_start3A_227 = arith.constant 0 : i32
      %dma_start3A_228 = arith.constant 0 : i32
      %dma_start3A_229 = tpu.memref_slice %arg8[%dma_start3A_225, %dma_start3A_226, %dma_start3A_227, %dma_start3A_228] : memref<2x8x8x129xf32, #tpu.memory_space<vmem>> -> memref<1x8x8x128xf32, #tpu.memory_space<vmem>>
      %dma_start3A_230 = tpu.memref_squeeze %dma_start3A_229 : memref<1x8x8x128xf32, #tpu.memory_space<vmem>> -> memref<8x8x128xf32, #tpu.memory_space<vmem>>
      %dma_start3A_231 = arith.constant 0 : i32
      %dma_start3A_232 = arith.constant 0 : i32
      %dma_start3A_233 = arith.constant 0 : i32
      %dma_start3A_234 = tpu.memref_slice %arg4[%select_n3A, %dma_start3A_231, %add3A_224, %dma_start3A_232, %dma_start3A_233] : memref<200x8x32x8x128xf32, #tpu.memory_space<hbm>> -> memref<1x8x1x8x128xf32, #tpu.memory_space<hbm>>
      %dma_start3A_235 = tpu.memref_squeeze %dma_start3A_234 : memref<1x8x1x8x128xf32, #tpu.memory_space<hbm>> -> memref<8x8x128xf32, #tpu.memory_space<hbm>>
      %dma_start3A_236 = arith.constant 0 : i32
      %dma_start3A_237 = arith.constant 0 : i32
      %dma_start3A_238 = arith.constant 0 : i32
      %dma_start3A_239 = tpu.memref_slice %arg4[%select_n3A, %dma_start3A_236, %add3A_224, %dma_start3A_237, %dma_start3A_238] : memref<200x8x32x8x128xf32, #tpu.memory_space<hbm>> -> memref<1x8x1x8x128xf32, #tpu.memory_space<hbm>>
      %dma_start3A_240 = tpu.memref_squeeze %dma_start3A_239 : memref<1x8x1x8x128xf32, #tpu.memory_space<hbm>> -> memref<8x8x128xf32, #tpu.memory_space<hbm>>
      %dma_start3A_241 = arith.constant 0 : i32
      %dma_start3A_242 = arith.constant 0 : i32
      %dma_start3A_243 = arith.constant 0 : i32
      %dma_start3A_244 = tpu.memref_slice %arg8[%dma_start3A_225, %dma_start3A_241, %dma_start3A_242, %dma_start3A_243] : memref<2x8x8x129xf32, #tpu.memory_space<vmem>> -> memref<1x8x8x128xf32, #tpu.memory_space<vmem>>
      %dma_start3A_245 = tpu.memref_squeeze %dma_start3A_244 : memref<1x8x8x128xf32, #tpu.memory_space<vmem>> -> memref<8x8x128xf32, #tpu.memory_space<vmem>>
      tpu.enqueue_dma source(%dma_start3A_245 : memref<8x8x128xf32, #tpu.memory_space<vmem>>) target(%dma_start3A_240 : memref<8x8x128xf32, #tpu.memory_space<hbm>>) target_semaphore(%arg12 : memref<!tpu.dma_semaphore, #tpu.memory_space<semaphore_mem>>)
      %mul3A_246 = arith.constant 2 : i32
      %mul3A_247 = arith.muli %add3A_159, %mul3A_246 : i32
      %add3A_248 = arith.constant 1 : i32
      %add3A_249 = arith.addi %mul3A_247, %add3A_248 : i32
      %mul3A_250 = arith.constant 2 : i32
      %mul3A_251 = arith.muli %mul3A_250, %add3A_249 : i32
      %add3A_252 = arith.addi %mul3A_2, %mul3A_251 : i32
      %jit3A_253 = arith.constant 32 : i32
      %div3A_254 = arith.divsi %add3A_252, %jit3A_253 : i32
      %sign3A_255 = arith.constant 0 : i32
      %sign3A_256 = arith.cmpi sgt, %add3A_252, %sign3A_255 : i32
      %sign3A_257 = arith.extui %sign3A_256 : i1 to i32
      %sign3A_258 = arith.constant 0 : i32
      %sign3A_259 = arith.cmpi slt, %add3A_252, %sign3A_258 : i32
      %sign3A_260 = arith.extui %sign3A_259 : i1 to i32
      %sign3A_261 = arith.subi %sign3A_257, %sign3A_260 : i32
      %sign3A_262 = arith.constant 0 : i32
      %sign3A_263 = arith.cmpi sgt, %jit3A_253, %sign3A_262 : i32
      %sign3A_264 = arith.extui %sign3A_263 : i1 to i32
      %sign3A_265 = arith.constant 0 : i32
      %sign3A_266 = arith.cmpi slt, %jit3A_253, %sign3A_265 : i32
      %sign3A_267 = arith.extui %sign3A_266 : i1 to i32
      %sign3A_268 = arith.subi %sign3A_264, %sign3A_267 : i32
      %ne3A_269 = arith.cmpi ne, %sign3A_261, %sign3A_268 : i32
      %rem3A_270 = arith.remsi %add3A_252, %jit3A_253 : i32
      %ne3A_271 = arith.constant 0 : i32
      %ne3A_272 = arith.cmpi ne, %rem3A_270, %ne3A_271 : i32
      %and3A_273 = arith.andi %ne3A_269, %ne3A_272 : i1
      %sub3A_274 = arith.constant 1 : i32
      %sub3A_275 = arith.subi %div3A_254, %sub3A_274 : i32
      %select_n3A_276 = arith.select %and3A_273, %sub3A_275, %div3A_254 : i32
      %mul3A_277 = arith.constant 32 : i32
      %mul3A_278 = arith.muli %select_n3A_276, %mul3A_277 : i32
      %sub3A_279 = arith.subi %add3A_252, %mul3A_278 : i32
      %gt3A_280 = arith.constant 0 : i32
      %gt3A_281 = arith.cmpi sgt, %add3A_159, %gt3A_280 : i32
      %convert_element_type3A_282 = arith.extui %gt3A_281 : i1 to i32
      %cond3A_283 = arith.constant 0 : i32
      %cond3A_284 = arith.cmpi ne, %convert_element_type3A_282, %cond3A_283 : i32
      scf.if %cond3A_284 {
        %dma_wait3A_344 = arith.constant 0 : i32
        %dma_wait3A_345 = arith.constant 0 : i32
        %dma_wait3A_346 = arith.constant 0 : i32
        %dma_wait3A_347 = arith.constant 0 : i32
        %dma_wait3A_348 = arith.constant 0 : i32
        %dma_wait3A_349 = arith.constant 0 : i32
        %dma_wait3A_350 = tpu.memref_slice %arg9[%dma_wait3A_344, %dma_wait3A_347, %dma_wait3A_348, %dma_wait3A_349] : memref<2x8x8x129xf32, #tpu.memory_space<vmem>> -> memref<1x8x8x128xf32, #tpu.memory_space<vmem>>
        %dma_wait3A_351 = tpu.memref_squeeze %dma_wait3A_350 : memref<1x8x8x128xf32, #tpu.memory_space<vmem>> -> memref<8x8x128xf32, #tpu.memory_space<vmem>>
        %dma_wait3A_352 = arith.constant 0 : i32
        %dma_wait3A_353 = arith.constant 0 : i32
        %dma_wait3A_354 = arith.constant 0 : i32
        %dma_wait3A_355 = tpu.memref_slice %arg4[%dma_wait3A_345, %dma_wait3A_352, %dma_wait3A_346, %dma_wait3A_353, %dma_wait3A_354] : memref<200x8x32x8x128xf32, #tpu.memory_space<hbm>> -> memref<1x8x1x8x128xf32, #tpu.memory_space<hbm>>
        %dma_wait3A_356 = tpu.memref_squeeze %dma_wait3A_355 : memref<1x8x1x8x128xf32, #tpu.memory_space<hbm>> -> memref<8x8x128xf32, #tpu.memory_space<hbm>>
        %dma_wait3A_357 = arith.constant 0 : i32
        %dma_wait3A_358 = arith.constant 0 : i32
        %dma_wait3A_359 = arith.constant 0 : i32
        %dma_wait3A_360 = tpu.memref_slice %arg4[%dma_wait3A_345, %dma_wait3A_357, %dma_wait3A_346, %dma_wait3A_358, %dma_wait3A_359] : memref<200x8x32x8x128xf32, #tpu.memory_space<hbm>> -> memref<1x8x1x8x128xf32, #tpu.memory_space<hbm>>
        %dma_wait3A_361 = tpu.memref_squeeze %dma_wait3A_360 : memref<1x8x1x8x128xf32, #tpu.memory_space<hbm>> -> memref<8x8x128xf32, #tpu.memory_space<hbm>>
        %dma_wait3A_362 = arith.constant 0 : i32
        %dma_wait3A_363 = arith.constant 0 : i32
        %dma_wait3A_364 = arith.constant 0 : i32
        %dma_wait3A_365 = tpu.memref_slice %arg9[%dma_wait3A_344, %dma_wait3A_362, %dma_wait3A_363, %dma_wait3A_364] : memref<2x8x8x129xf32, #tpu.memory_space<vmem>> -> memref<1x8x8x128xf32, #tpu.memory_space<vmem>>
        %dma_wait3A_366 = tpu.memref_squeeze %dma_wait3A_365 : memref<1x8x8x128xf32, #tpu.memory_space<vmem>> -> memref<8x8x128xf32, #tpu.memory_space<vmem>>
        tpu.wait_dma2 semaphore(%arg13 : memref<!tpu.dma_semaphore, #tpu.memory_space<semaphore_mem>>) src(%dma_wait3A_366 : memref<8x8x128xf32, #tpu.memory_space<vmem>>) dst(%dma_wait3A_361 : memref<8x8x128xf32, #tpu.memory_space<hbm>>)
        %dma_wait3A_367 = arith.constant 0 : i32
        %dma_wait3A_368 = arith.constant 0 : i32
        %dma_wait3A_369 = arith.constant 0 : i32
        %dma_wait3A_370 = arith.constant 0 : i32
        %dma_wait3A_371 = arith.constant 0 : i32
        %dma_wait3A_372 = arith.constant 0 : i32
        %dma_wait3A_373 = tpu.memref_slice %arg9[%dma_wait3A_367, %dma_wait3A_370, %dma_wait3A_371, %dma_wait3A_372] : memref<2x8x8x129xf32, #tpu.memory_space<vmem>> -> memref<1x8x8x128xf32, #tpu.memory_space<vmem>>
        %dma_wait3A_374 = tpu.memref_squeeze %dma_wait3A_373 : memref<1x8x8x128xf32, #tpu.memory_space<vmem>> -> memref<8x8x128xf32, #tpu.memory_space<vmem>>
        %dma_wait3A_375 = arith.constant 0 : i32
        %dma_wait3A_376 = arith.constant 0 : i32
        %dma_wait3A_377 = arith.constant 0 : i32
        %dma_wait3A_378 = tpu.memref_slice %arg4[%dma_wait3A_368, %dma_wait3A_375, %dma_wait3A_369, %dma_wait3A_376, %dma_wait3A_377] : memref<200x8x32x8x128xf32, #tpu.memory_space<hbm>> -> memref<1x8x1x8x128xf32, #tpu.memory_space<hbm>>
        %dma_wait3A_379 = tpu.memref_squeeze %dma_wait3A_378 : memref<1x8x1x8x128xf32, #tpu.memory_space<hbm>> -> memref<8x8x128xf32, #tpu.memory_space<hbm>>
        %dma_wait3A_380 = arith.constant 0 : i32
        %dma_wait3A_381 = arith.constant 0 : i32
        %dma_wait3A_382 = arith.constant 0 : i32
        %dma_wait3A_383 = tpu.memref_slice %arg4[%dma_wait3A_368, %dma_wait3A_380, %dma_wait3A_369, %dma_wait3A_381, %dma_wait3A_382] : memref<200x8x32x8x128xf32, #tpu.memory_space<hbm>> -> memref<1x8x1x8x128xf32, #tpu.memory_space<hbm>>
        %dma_wait3A_384 = tpu.memref_squeeze %dma_wait3A_383 : memref<1x8x1x8x128xf32, #tpu.memory_space<hbm>> -> memref<8x8x128xf32, #tpu.memory_space<hbm>>
        %dma_wait3A_385 = arith.constant 0 : i32
        %dma_wait3A_386 = arith.constant 0 : i32
        %dma_wait3A_387 = arith.constant 0 : i32
        %dma_wait3A_388 = tpu.memref_slice %arg9[%dma_wait3A_367, %dma_wait3A_385, %dma_wait3A_386, %dma_wait3A_387] : memref<2x8x8x129xf32, #tpu.memory_space<vmem>> -> memref<1x8x8x128xf32, #tpu.memory_space<vmem>>
        %dma_wait3A_389 = tpu.memref_squeeze %dma_wait3A_388 : memref<1x8x8x128xf32, #tpu.memory_space<vmem>> -> memref<8x8x128xf32, #tpu.memory_space<vmem>>
        tpu.wait_dma2 semaphore(%arg13 : memref<!tpu.dma_semaphore, #tpu.memory_space<semaphore_mem>>) src(%dma_wait3A_389 : memref<8x8x128xf32, #tpu.memory_space<vmem>>) dst(%dma_wait3A_384 : memref<8x8x128xf32, #tpu.memory_space<hbm>>)
      } else {
      }
      %dma_wait3A_285 = arith.constant 0 : i32
      %dma_wait3A_286 = tpu.memref_slice %arg5[%dma_wait3A_285] : memref<25600xi32, #tpu.memory_space<vmem>> -> memref<256xi32, #tpu.memory_space<vmem>>
      %dma_wait3A_287 = arith.constant 0 : i32
      %dma_wait3A_288 = arith.constant 0 : i32
      %dma_wait3A_289 = tpu.memref_slice %arg3[%dma_wait3A_287, %dma_wait3A_288] : memref<2000000x64xf32, #tpu.memory_space<hbm>> -> memref<2000000x64xf32, #tpu.memory_space<hbm>>
      tpu.wait_indirect_dma semaphore(%arg11 : memref<!tpu.dma_semaphore, #tpu.memory_space<semaphore_mem>>) src(%dma_wait3A_289 : memref<2000000x64xf32, #tpu.memory_space<hbm>>) dst(%arg7 : memref<256x64xf32, #tpu.memory_space<vmem>>)
      %parallel_loop3A_290 = arith.constant 0 : i32
      %parallel_loop3A_291 = arith.constant 256 : i32
      %parallel_loop3A_292 = arith.constant 1 : i32
      scf.for %parallel_loop3A_344 = %parallel_loop3A_290 to %parallel_loop3A_291 step %parallel_loop3A_292  : i32 {
        %parallel_loop3A_345 = arith.constant 7 : i32
        %parallel_loop3A_346 = arith.shrsi %parallel_loop3A_344, %parallel_loop3A_345 : i32
        %parallel_loop3A_347 = arith.constant 127 : i32
        %parallel_loop3A_348 = arith.andi %parallel_loop3A_344, %parallel_loop3A_347 : i32
        %parallel_loop3A_349 = vector.broadcast %parallel_loop3A_346 : i32 to vector<16xi32>
        %parallel_loop3A_350 = vector.broadcast %parallel_loop3A_348 : i32 to vector<16xi32>
        %parallel_loop3A_351 = arith.index_cast %parallel_loop3A_344 : i32 to index
        %parallel_loop3A_352 = arith.constant 0 : index
        %parallel_loop3A_353 = tpu.vector_load %arg7[%parallel_loop3A_351, %parallel_loop3A_352] {strides = array<i32>} : memref<256x64xf32, #tpu.memory_space<vmem>>, vector<16xf32>,
        tpu.vector_store_idx %arg9[%parallel_loop3A_349, %shift_right_arithmetic3A_7, %and3A_30, %parallel_loop3A_350], %parallel_loop3A_353 : memref<2x8x8x129xf32, #tpu.memory_space<vmem>>[vector<16xi32>, vector<16xi32>, vector<16xi32>, vector<16xi32>], vector<16xf32>,
        %parallel_loop3A_354 = arith.index_cast %parallel_loop3A_344 : i32 to index
        %parallel_loop3A_355 = arith.constant 16 : index
        %parallel_loop3A_356 = tpu.vector_load %arg7[%parallel_loop3A_354, %parallel_loop3A_355] {strides = array<i32>} : memref<256x64xf32, #tpu.memory_space<vmem>>, vector<16xf32>,
        tpu.vector_store_idx %arg9[%parallel_loop3A_349, %shift_right_arithmetic3A_13, %and3A_36, %parallel_loop3A_350], %parallel_loop3A_356 : memref<2x8x8x129xf32, #tpu.memory_space<vmem>>[vector<16xi32>, vector<16xi32>, vector<16xi32>, vector<16xi32>], vector<16xf32>,
        %parallel_loop3A_357 = arith.index_cast %parallel_loop3A_344 : i32 to index
        %parallel_loop3A_358 = arith.constant 32 : index
        %parallel_loop3A_359 = tpu.vector_load %arg7[%parallel_loop3A_357, %parallel_loop3A_358] {strides = array<i32>} : memref<256x64xf32, #tpu.memory_space<vmem>>, vector<16xf32>,
        tpu.vector_store_idx %arg9[%parallel_loop3A_349, %shift_right_arithmetic3A_19, %and3A_42, %parallel_loop3A_350], %parallel_loop3A_359 : memref<2x8x8x129xf32, #tpu.memory_space<vmem>>[vector<16xi32>, vector<16xi32>, vector<16xi32>, vector<16xi32>], vector<16xf32>,
        %parallel_loop3A_360 = arith.index_cast %parallel_loop3A_344 : i32 to index
        %parallel_loop3A_361 = arith.constant 48 : index
        %parallel_loop3A_362 = tpu.vector_load %arg7[%parallel_loop3A_360, %parallel_loop3A_361] {strides = array<i32>} : memref<256x64xf32, #tpu.memory_space<vmem>>, vector<16xf32>,
        tpu.vector_store_idx %arg9[%parallel_loop3A_349, %shift_right_arithmetic3A_25, %and3A_48, %parallel_loop3A_350], %parallel_loop3A_362 : memref<2x8x8x129xf32, #tpu.memory_space<vmem>>[vector<16xi32>, vector<16xi32>, vector<16xi32>, vector<16xi32>], vector<16xf32>,
      } {sc.loop_unroll_factor = 4 : i64, sc.parallel_access}
      %lt3A_293 = arith.constant 98 : i32
      %lt3A_294 = arith.cmpi slt, %add3A_249, %lt3A_293 : i32
      %convert_element_type3A_295 = arith.extui %lt3A_294 : i1 to i32
      %cond3A_296 = arith.constant 0 : i32
      %cond3A_297 = arith.cmpi ne, %convert_element_type3A_295, %cond3A_296 : i32
      scf.if %cond3A_297 {
        %add3A_344 = arith.constant 2 : i32
        %add3A_345 = arith.addi %add3A_249, %add3A_344 : i32
        %mul3A_346 = arith.constant 2 : i32
        %mul3A_347 = arith.muli %add3A_345, %mul3A_346 : i32
        %mul3A_348 = arith.constant 128 : i32
        %mul3A_349 = arith.muli %mul3A_347, %mul3A_348 : i32
        %dma_start3A_350 = tpu.memref_slice %arg5[%mul3A_349] : memref<25600xi32, #tpu.memory_space<vmem>> -> memref<256xi32, #tpu.memory_space<vmem>>
        %dma_start3A_351 = arith.constant 0 : i32
        %dma_start3A_352 = arith.constant 0 : i32
        %dma_start3A_353 = tpu.memref_slice %arg3[%dma_start3A_351, %dma_start3A_352] : memref<2000000x64xf32, #tpu.memory_space<hbm>> -> memref<2000000x64xf32, #tpu.memory_space<hbm>>
        tpu.enqueue_indirect_dma source(%dma_start3A_353 : memref<2000000x64xf32, #tpu.memory_space<hbm>>) target(%arg7 : memref<256x64xf32, #tpu.memory_space<vmem>>) offsets(%dma_start3A_350 : memref<256xi32, #tpu.memory_space<vmem>>) semaphore(%arg11 : memref<!tpu.dma_semaphore, #tpu.memory_space<semaphore_mem>>)
      } else {
      }
      %add3A_298 = arith.constant 0 : i32
      %add3A_299 = arith.addi %sub3A_279, %add3A_298 : i32
      %dma_start3A_300 = arith.constant 0 : i32
      %dma_start3A_301 = arith.constant 0 : i32
      %dma_start3A_302 = arith.constant 0 : i32
      %dma_start3A_303 = arith.constant 0 : i32
      %dma_start3A_304 = tpu.memref_slice %arg9[%dma_start3A_300, %dma_start3A_301, %dma_start3A_302, %dma_start3A_303] : memref<2x8x8x129xf32, #tpu.memory_space<vmem>> -> memref<1x8x8x128xf32, #tpu.memory_space<vmem>>
      %dma_start3A_305 = tpu.memref_squeeze %dma_start3A_304 : memref<1x8x8x128xf32, #tpu.memory_space<vmem>> -> memref<8x8x128xf32, #tpu.memory_space<vmem>>
      %dma_start3A_306 = arith.constant 0 : i32
      %dma_start3A_307 = arith.constant 0 : i32
      %dma_start3A_308 = arith.constant 0 : i32
      %dma_start3A_309 = tpu.memref_slice %arg4[%select_n3A_276, %dma_start3A_306, %add3A_299, %dma_start3A_307, %dma_start3A_308] : memref<200x8x32x8x128xf32, #tpu.memory_space<hbm>> -> memref<1x8x1x8x128xf32, #tpu.memory_space<hbm>>
      %dma_start3A_310 = tpu.memref_squeeze %dma_start3A_309 : memref<1x8x1x8x128xf32, #tpu.memory_space<hbm>> -> memref<8x8x128xf32, #tpu.memory_space<hbm>>
      %dma_start3A_311 = arith.constant 0 : i32
      %dma_start3A_312 = arith.constant 0 : i32
      %dma_start3A_313 = arith.constant 0 : i32
      %dma_start3A_314 = tpu.memref_slice %arg4[%select_n3A_276, %dma_start3A_311, %add3A_299, %dma_start3A_312, %dma_start3A_313] : memref<200x8x32x8x128xf32, #tpu.memory_space<hbm>> -> memref<1x8x1x8x128xf32, #tpu.memory_space<hbm>>
      %dma_start3A_315 = tpu.memref_squeeze %dma_start3A_314 : memref<1x8x1x8x128xf32, #tpu.memory_space<hbm>> -> memref<8x8x128xf32, #tpu.memory_space<hbm>>
      %dma_start3A_316 = arith.constant 0 : i32
      %dma_start3A_317 = arith.constant 0 : i32
      %dma_start3A_318 = arith.constant 0 : i32
      %dma_start3A_319 = tpu.memref_slice %arg9[%dma_start3A_300, %dma_start3A_316, %dma_start3A_317, %dma_start3A_318] : memref<2x8x8x129xf32, #tpu.memory_space<vmem>> -> memref<1x8x8x128xf32, #tpu.memory_space<vmem>>
      %dma_start3A_320 = tpu.memref_squeeze %dma_start3A_319 : memref<1x8x8x128xf32, #tpu.memory_space<vmem>> -> memref<8x8x128xf32, #tpu.memory_space<vmem>>
      tpu.enqueue_dma source(%dma_start3A_320 : memref<8x8x128xf32, #tpu.memory_space<vmem>>) target(%dma_start3A_315 : memref<8x8x128xf32, #tpu.memory_space<hbm>>) target_semaphore(%arg13 : memref<!tpu.dma_semaphore, #tpu.memory_space<semaphore_mem>>)
      %add3A_321 = arith.constant 1 : i32
      %add3A_322 = arith.addi %sub3A_279, %add3A_321 : i32
      %dma_start3A_323 = arith.constant 1 : i32
      %dma_start3A_324 = arith.constant 0 : i32
      %dma_start3A_325 = arith.constant 0 : i32
      %dma_start3A_326 = arith.constant 0 : i32
      %dma_start3A_327 = tpu.memref_slice %arg9[%dma_start3A_323, %dma_start3A_324, %dma_start3A_325, %dma_start3A_326] : memref<2x8x8x129xf32, #tpu.memory_space<vmem>> -> memref<1x8x8x128xf32, #tpu.memory_space<vmem>>
      %dma_start3A_328 = tpu.memref_squeeze %dma_start3A_327 : memref<1x8x8x128xf32, #tpu.memory_space<vmem>> -> memref<8x8x128xf32, #tpu.memory_space<vmem>>
      %dma_start3A_329 = arith.constant 0 : i32
      %dma_start3A_330 = arith.constant 0 : i32
      %dma_start3A_331 = arith.constant 0 : i32
      %dma_start3A_332 = tpu.memref_slice %arg4[%select_n3A_276, %dma_start3A_329, %add3A_322, %dma_start3A_330, %dma_start3A_331] : memref<200x8x32x8x128xf32, #tpu.memory_space<hbm>> -> memref<1x8x1x8x128xf32, #tpu.memory_space<hbm>>
      %dma_start3A_333 = tpu.memref_squeeze %dma_start3A_332 : memref<1x8x1x8x128xf32, #tpu.memory_space<hbm>> -> memref<8x8x128xf32, #tpu.memory_space<hbm>>
      %dma_start3A_334 = arith.constant 0 : i32
      %dma_start3A_335 = arith.constant 0 : i32
      %dma_start3A_336 = arith.constant 0 : i32
      %dma_start3A_337 = tpu.memref_slice %arg4[%select_n3A_276, %dma_start3A_334, %add3A_322, %dma_start3A_335, %dma_start3A_336] : memref<200x8x32x8x128xf32, #tpu.memory_space<hbm>> -> memref<1x8x1x8x128xf32, #tpu.memory_space<hbm>>
      %dma_start3A_338 = tpu.memref_squeeze %dma_start3A_337 : memref<1x8x1x8x128xf32, #tpu.memory_space<hbm>> -> memref<8x8x128xf32, #tpu.memory_space<hbm>>
      %dma_start3A_339 = arith.constant 0 : i32
      %dma_start3A_340 = arith.constant 0 : i32
      %dma_start3A_341 = arith.constant 0 : i32
      %dma_start3A_342 = tpu.memref_slice %arg9[%dma_start3A_323, %dma_start3A_339, %dma_start3A_340, %dma_start3A_341] : memref<2x8x8x129xf32, #tpu.memory_space<vmem>> -> memref<1x8x8x128xf32, #tpu.memory_space<vmem>>
      %dma_start3A_343 = tpu.memref_squeeze %dma_start3A_342 : memref<1x8x8x128xf32, #tpu.memory_space<vmem>> -> memref<8x8x128xf32, #tpu.memory_space<vmem>>
      tpu.enqueue_dma source(%dma_start3A_343 : memref<8x8x128xf32, #tpu.memory_space<vmem>>) target(%dma_start3A_338 : memref<8x8x128xf32, #tpu.memory_space<hbm>>) target_semaphore(%arg13 : memref<!tpu.dma_semaphore, #tpu.memory_space<semaphore_mem>>)
    }
    %scan3A_63 = arith.constant 50 : i32
    %dma_wait3A = arith.constant 0 : i32
    %dma_wait3A_64 = arith.constant 0 : i32
    %dma_wait3A_65 = arith.constant 0 : i32
    %dma_wait3A_66 = arith.constant 0 : i32
    %dma_wait3A_67 = arith.constant 0 : i32
    %dma_wait3A_68 = arith.constant 0 : i32
    %dma_wait3A_69 = tpu.memref_slice %arg8[%dma_wait3A, %dma_wait3A_66, %dma_wait3A_67, %dma_wait3A_68] : memref<2x8x8x129xf32, #tpu.memory_space<vmem>> -> memref<1x8x8x128xf32, #tpu.memory_space<vmem>>
    %dma_wait3A_70 = tpu.memref_squeeze %dma_wait3A_69 : memref<1x8x8x128xf32, #tpu.memory_space<vmem>> -> memref<8x8x128xf32, #tpu.memory_space<vmem>>
    %dma_wait3A_71 = arith.constant 0 : i32
    %dma_wait3A_72 = arith.constant 0 : i32
    %dma_wait3A_73 = arith.constant 0 : i32
    %dma_wait3A_74 = tpu.memref_slice %arg4[%dma_wait3A_64, %dma_wait3A_71, %dma_wait3A_65, %dma_wait3A_72, %dma_wait3A_73] : memref<200x8x32x8x128xf32, #tpu.memory_space<hbm>> -> memref<1x8x1x8x128xf32, #tpu.memory_space<hbm>>
    %dma_wait3A_75 = tpu.memref_squeeze %dma_wait3A_74 : memref<1x8x1x8x128xf32, #tpu.memory_space<hbm>> -> memref<8x8x128xf32, #tpu.memory_space<hbm>>
    %dma_wait3A_76 = arith.constant 0 : i32
    %dma_wait3A_77 = arith.constant 0 : i32
    %dma_wait3A_78 = arith.constant 0 : i32
    %dma_wait3A_79 = tpu.memref_slice %arg4[%dma_wait3A_64, %dma_wait3A_76, %dma_wait3A_65, %dma_wait3A_77, %dma_wait3A_78] : memref<200x8x32x8x128xf32, #tpu.memory_space<hbm>> -> memref<1x8x1x8x128xf32, #tpu.memory_space<hbm>>
    %dma_wait3A_80 = tpu.memref_squeeze %dma_wait3A_79 : memref<1x8x1x8x128xf32, #tpu.memory_space<hbm>> -> memref<8x8x128xf32, #tpu.memory_space<hbm>>
    %dma_wait3A_81 = arith.constant 0 : i32
    %dma_wait3A_82 = arith.constant 0 : i32
    %dma_wait3A_83 = arith.constant 0 : i32
    %dma_wait3A_84 = tpu.memref_slice %arg8[%dma_wait3A, %dma_wait3A_81, %dma_wait3A_82, %dma_wait3A_83] : memref<2x8x8x129xf32, #tpu.memory_space<vmem>> -> memref<1x8x8x128xf32, #tpu.memory_space<vmem>>
    %dma_wait3A_85 = tpu.memref_squeeze %dma_wait3A_84 : memref<1x8x8x128xf32, #tpu.memory_space<vmem>> -> memref<8x8x128xf32, #tpu.memory_space<vmem>>
    tpu.wait_dma2 semaphore(%arg12 : memref<!tpu.dma_semaphore, #tpu.memory_space<semaphore_mem>>) src(%dma_wait3A_85 : memref<8x8x128xf32, #tpu.memory_space<vmem>>) dst(%dma_wait3A_80 : memref<8x8x128xf32, #tpu.memory_space<hbm>>)
    %dma_wait3A_86 = arith.constant 0 : i32
    %dma_wait3A_87 = arith.constant 0 : i32
    %dma_wait3A_88 = arith.constant 0 : i32
    %dma_wait3A_89 = arith.constant 0 : i32
    %dma_wait3A_90 = arith.constant 0 : i32
    %dma_wait3A_91 = arith.constant 0 : i32
    %dma_wait3A_92 = tpu.memref_slice %arg8[%dma_wait3A_86, %dma_wait3A_89, %dma_wait3A_90, %dma_wait3A_91] : memref<2x8x8x129xf32, #tpu.memory_space<vmem>> -> memref<1x8x8x128xf32, #tpu.memory_space<vmem>>
    %dma_wait3A_93 = tpu.memref_squeeze %dma_wait3A_92 : memref<1x8x8x128xf32, #tpu.memory_space<vmem>> -> memref<8x8x128xf32, #tpu.memory_space<vmem>>
    %dma_wait3A_94 = arith.constant 0 : i32
    %dma_wait3A_95 = arith.constant 0 : i32
    %dma_wait3A_96 = arith.constant 0 : i32
    %dma_wait3A_97 = tpu.memref_slice %arg4[%dma_wait3A_87, %dma_wait3A_94, %dma_wait3A_88, %dma_wait3A_95, %dma_wait3A_96] : memref<200x8x32x8x128xf32, #tpu.memory_space<hbm>> -> memref<1x8x1x8x128xf32, #tpu.memory_space<hbm>>
    %dma_wait3A_98 = tpu.memref_squeeze %dma_wait3A_97 : memref<1x8x1x8x128xf32, #tpu.memory_space<hbm>> -> memref<8x8x128xf32, #tpu.memory_space<hbm>>
    %dma_wait3A_99 = arith.constant 0 : i32
    %dma_wait3A_100 = arith.constant 0 : i32
    %dma_wait3A_101 = arith.constant 0 : i32
    %dma_wait3A_102 = tpu.memref_slice %arg4[%dma_wait3A_87, %dma_wait3A_99, %dma_wait3A_88, %dma_wait3A_100, %dma_wait3A_101] : memref<200x8x32x8x128xf32, #tpu.memory_space<hbm>> -> memref<1x8x1x8x128xf32, #tpu.memory_space<hbm>>
    %dma_wait3A_103 = tpu.memref_squeeze %dma_wait3A_102 : memref<1x8x1x8x128xf32, #tpu.memory_space<hbm>> -> memref<8x8x128xf32, #tpu.memory_space<hbm>>
    %dma_wait3A_104 = arith.constant 0 : i32
    %dma_wait3A_105 = arith.constant 0 : i32
    %dma_wait3A_106 = arith.constant 0 : i32
    %dma_wait3A_107 = tpu.memref_slice %arg8[%dma_wait3A_86, %dma_wait3A_104, %dma_wait3A_105, %dma_wait3A_106] : memref<2x8x8x129xf32, #tpu.memory_space<vmem>> -> memref<1x8x8x128xf32, #tpu.memory_space<vmem>>
    %dma_wait3A_108 = tpu.memref_squeeze %dma_wait3A_107 : memref<1x8x8x128xf32, #tpu.memory_space<vmem>> -> memref<8x8x128xf32, #tpu.memory_space<vmem>>
    tpu.wait_dma2 semaphore(%arg12 : memref<!tpu.dma_semaphore, #tpu.memory_space<semaphore_mem>>) src(%dma_wait3A_108 : memref<8x8x128xf32, #tpu.memory_space<vmem>>) dst(%dma_wait3A_103 : memref<8x8x128xf32, #tpu.memory_space<hbm>>)
    %dma_wait3A_109 = arith.constant 0 : i32
    %dma_wait3A_110 = arith.constant 0 : i32
    %dma_wait3A_111 = arith.constant 0 : i32
    %dma_wait3A_112 = arith.constant 0 : i32
    %dma_wait3A_113 = arith.constant 0 : i32
    %dma_wait3A_114 = arith.constant 0 : i32
    %dma_wait3A_115 = tpu.memref_slice %arg9[%dma_wait3A_109, %dma_wait3A_112, %dma_wait3A_113, %dma_wait3A_114] : memref<2x8x8x129xf32, #tpu.memory_space<vmem>> -> memref<1x8x8x128xf32, #tpu.memory_space<vmem>>
    %dma_wait3A_116 = tpu.memref_squeeze %dma_wait3A_115 : memref<1x8x8x128xf32, #tpu.memory_space<vmem>> -> memref<8x8x128xf32, #tpu.memory_space<vmem>>
    %dma_wait3A_117 = arith.constant 0 : i32
    %dma_wait3A_118 = arith.constant 0 : i32
    %dma_wait3A_119 = arith.constant 0 : i32
    %dma_wait3A_120 = tpu.memref_slice %arg4[%dma_wait3A_110, %dma_wait3A_117, %dma_wait3A_111, %dma_wait3A_118, %dma_wait3A_119] : memref<200x8x32x8x128xf32, #tpu.memory_space<hbm>> -> memref<1x8x1x8x128xf32, #tpu.memory_space<hbm>>
    %dma_wait3A_121 = tpu.memref_squeeze %dma_wait3A_120 : memref<1x8x1x8x128xf32, #tpu.memory_space<hbm>> -> memref<8x8x128xf32, #tpu.memory_space<hbm>>
    %dma_wait3A_122 = arith.constant 0 : i32
    %dma_wait3A_123 = arith.constant 0 : i32
    %dma_wait3A_124 = arith.constant 0 : i32
    %dma_wait3A_125 = tpu.memref_slice %arg4[%dma_wait3A_110, %dma_wait3A_122, %dma_wait3A_111, %dma_wait3A_123, %dma_wait3A_124] : memref<200x8x32x8x128xf32, #tpu.memory_space<hbm>> -> memref<1x8x1x8x128xf32, #tpu.memory_space<hbm>>
    %dma_wait3A_126 = tpu.memref_squeeze %dma_wait3A_125 : memref<1x8x1x8x128xf32, #tpu.memory_space<hbm>> -> memref<8x8x128xf32, #tpu.memory_space<hbm>>
    %dma_wait3A_127 = arith.constant 0 : i32
    %dma_wait3A_128 = arith.constant 0 : i32
    %dma_wait3A_129 = arith.constant 0 : i32
    %dma_wait3A_130 = tpu.memref_slice %arg9[%dma_wait3A_109, %dma_wait3A_127, %dma_wait3A_128, %dma_wait3A_129] : memref<2x8x8x129xf32, #tpu.memory_space<vmem>> -> memref<1x8x8x128xf32, #tpu.memory_space<vmem>>
    %dma_wait3A_131 = tpu.memref_squeeze %dma_wait3A_130 : memref<1x8x8x128xf32, #tpu.memory_space<vmem>> -> memref<8x8x128xf32, #tpu.memory_space<vmem>>
    tpu.wait_dma2 semaphore(%arg13 : memref<!tpu.dma_semaphore, #tpu.memory_space<semaphore_mem>>) src(%dma_wait3A_131 : memref<8x8x128xf32, #tpu.memory_space<vmem>>) dst(%dma_wait3A_126 : memref<8x8x128xf32, #tpu.memory_space<hbm>>)
    %dma_wait3A_132 = arith.constant 0 : i32
    %dma_wait3A_133 = arith.constant 0 : i32
    %dma_wait3A_134 = arith.constant 0 : i32
    %dma_wait3A_135 = arith.constant 0 : i32
    %dma_wait3A_136 = arith.constant 0 : i32
    %dma_wait3A_137 = arith.constant 0 : i32
    %dma_wait3A_138 = tpu.memref_slice %arg9[%dma_wait3A_132, %dma_wait3A_135, %dma_wait3A_136, %dma_wait3A_137] : memref<2x8x8x129xf32, #tpu.memory_space<vmem>> -> memref<1x8x8x128xf32, #tpu.memory_space<vmem>>
    %dma_wait3A_139 = tpu.memref_squeeze %dma_wait3A_138 : memref<1x8x8x128xf32, #tpu.memory_space<vmem>> -> memref<8x8x128xf32, #tpu.memory_space<vmem>>
    %dma_wait3A_140 = arith.constant 0 : i32
    %dma_wait3A_141 = arith.constant 0 : i32
    %dma_wait3A_142 = arith.constant 0 : i32
    %dma_wait3A_143 = tpu.memref_slice %arg4[%dma_wait3A_133, %dma_wait3A_140, %dma_wait3A_134, %dma_wait3A_141, %dma_wait3A_142] : memref<200x8x32x8x128xf32, #tpu.memory_space<hbm>> -> memref<1x8x1x8x128xf32, #tpu.memory_space<hbm>>
    %dma_wait3A_144 = tpu.memref_squeeze %dma_wait3A_143 : memref<1x8x1x8x128xf32, #tpu.memory_space<hbm>> -> memref<8x8x128xf32, #tpu.memory_space<hbm>>
    %dma_wait3A_145 = arith.constant 0 : i32
    %dma_wait3A_146 = arith.constant 0 : i32
    %dma_wait3A_147 = arith.constant 0 : i32
    %dma_wait3A_148 = tpu.memref_slice %arg4[%dma_wait3A_133, %dma_wait3A_145, %dma_wait3A_134, %dma_wait3A_146, %dma_wait3A_147] : memref<200x8x32x8x128xf32, #tpu.memory_space<hbm>> -> memref<1x8x1x8x128xf32, #tpu.memory_space<hbm>>
    %dma_wait3A_149 = tpu.memref_squeeze %dma_wait3A_148 : memref<1x8x1x8x128xf32, #tpu.memory_space<hbm>> -> memref<8x8x128xf32, #tpu.memory_space<hbm>>
    %dma_wait3A_150 = arith.constant 0 : i32
    %dma_wait3A_151 = arith.constant 0 : i32
    %dma_wait3A_152 = arith.constant 0 : i32
    %dma_wait3A_153 = tpu.memref_slice %arg9[%dma_wait3A_132, %dma_wait3A_150, %dma_wait3A_151, %dma_wait3A_152] : memref<2x8x8x129xf32, #tpu.memory_space<vmem>> -> memref<1x8x8x128xf32, #tpu.memory_space<vmem>>
    %dma_wait3A_154 = tpu.memref_squeeze %dma_wait3A_153 : memref<1x8x8x128xf32, #tpu.memory_space<vmem>> -> memref<8x8x128xf32, #tpu.memory_space<vmem>>
    tpu.wait_dma2 semaphore(%arg13 : memref<!tpu.dma_semaphore, #tpu.memory_space<semaphore_mem>>) src(%dma_wait3A_154 : memref<8x8x128xf32, #tpu.memory_space<vmem>>) dst(%dma_wait3A_149 : memref<8x8x128xf32, #tpu.memory_space<hbm>>)
    return
  }
}

</mosaic_0001>

<sc_bundles>
// kernel: kernel.3.cloned.1.call-start
scs
__scs_entry_jumppad:
0x0: {  	(pc) =	sbr.rel $0x88, $3  }
0x1: {  	(tag) =	ssettag $0x0;
	lr =	simm.s32 $0x1  }
0x2: {  	[smem:$0x3F9F] =	sst lr;
	_ =	strace $0xD0000000  }
0x3: {  	_ = 	snop  }
0x4: {  	_ = 	snop  }
0x5: {  	_ = 	snop  }
0x6: {  	_ = 	snop  }
0x7: {  	_ = 	snop  }
__scs_overlays_trampoline_lowered:
0x8: {  	[smem:$0x3FAE] =	sst s0  }
0x9: {  	[smem:$0x3FAF] =	sst s1  }
0xa: {  	[smem:$0x3FB0] =	sst s2  }
0xb: {  	[smem:$0x3FB1] =	sst s3  }
0xc: {  	[smem:$0x3FB2] =	sst s4  }
0xd: {  	[smem:$0x3FB3] =	sst s5  }
0xe: {  	[smem:$0x3FB4] =	sst s6  }
0xf: {  	[smem:$0x3FB5] =	sst s7  }
0x10: {  	[smem:$0x3FB6] =	sst s8  }
0x11: {  	[smem:$0x3FB7] =	sst s9;
	s0 =	simm.s32 @!p0 $0x0  }
0x12: {  	s1 =	sld [smem:$0x3F9D];
	s0 =	simm.s32 @p0 $0x1  }
0x13: {  	[smem:$0x3FB8] =	sst s0;
	s0 =	simm.s32 @!p1 $0x0  }
0x14: {  	s2 =	sld [smem:$0x3F9C];
	s0 =	simm.s32 @p1 $0x1  }
0x15: {  	[smem:$0x3FB9] =	sst s0;
	s0 =	simm.s32 @!p2 $0x0  }
0x16: {  	s3 =	sld [smem:$0x3FDB];
	s0 =	simm.s32 @p2 $0x1  }
0x17: {  	s4 =	simm.s32 $0x1BF5;
	[smem:$0x3FBB] =	sst s0  }
0x18: {  	s0 =	sld [smem:$0x3F9E];
	_ =	swait.ge [sflag:s4], $0x0  }
0x19: {  	s7 =	sld [smem:$0x3F9F]  }
0x1a: {  	s8 =	sadd.s32 $0xFFFFE003, lr  }
0x1b: {  	s9 =	sadd.s32 $0xFFFFFEF7, lr;
	s5 =	simm.s32 $0xFFFFFFFF;
	p2 =	slt.u32 s8, $0xFFFFF086  }
0x1c: {  	p1 =	slt.u32 s9, $0xF7A;
	s5 =	simm.s32 @!p2 $0x0  }
0x1d: {  	s5 =	simm.s32 @p1 $0x1;
	p0 =	seq.s32 s7, s2  }
0x1e: {  	s7 =	smul.u32 @!p0 $0xF7A, s2;
	p2 =	seq.s32 @!p0 s5, $0x0  }
0x1f: {  	s9 =	smul.u32 $0xF7A, s1;
	s8 =	simm.s32 @!p0 $0x1BF5;
	p2 =	por !p2, p0  }
0x20: {  	[sflag:s8] =	ssyncset.s32 @!p0 $0xFFFFF086;
	s6 =	sadd.s32 @!p0 s3, s7;
	s7 =	simm.s32 @!p0 $0x108  }
0x21: {  	s3 =	sadd.s32 s3, s9;
	s6 =	sadd.s32 @!p0 $0x88, s6;
	s7 =	simm.s32 @p2 $0x1082  }
0x22: {  	[simem:s7], [sflag:s8] =	dma.local @!p0 [hbm:s6], $0xF7A  }
0x23: {  	s9 =	sor.u32 $0xD0000000, s2;
	s6 =	simm.s32 $0x108;
	_ =	swait.ge @!p0 [sflag:s8], $0x0  }
0x24: {  	s3 =	sadd.s32 $0x88, s3;
	s6 =	simm.s32 @!p1 $0x1082;
	[sflag:s4] =	ssyncset.s32 $0xFFFFF086  }
0x25: {  	[simem:s6], [sflag:s4] =	dma.local [hbm:s3], $0xF7A  }
0x26: {  	[smem:$0x3F9F] =	sst s1;
	(tag) =	ssettag s2;
	_ =	strace s9  }
0x27: {  	s1 =	sld [smem:$0x3FAF]  }
0x28: {  	s2 =	sld [smem:$0x3FB0]  }
0x29: {  	s4 =	sld [smem:$0x3FB2]  }
0x2a: {  	p0 =	seq.s32 s5, $0x0;
	s5 =	sld [smem:$0x3FB3]  }
0x2b: {  	s6 =	sld [smem:$0x3FB4]  }
0x2c: {  	s7 =	sld [smem:$0x3FB5]  }
0x2d: {  	s3 =	simm.s32 $0x108;
	s8 =	sld [smem:$0x3FB6]  }
0x2e: {  	s3 =	simm.s32 @!p0 $0x1082;
	s9 =	sld [smem:$0x3FB7]  }
0x2f: {  	lr =	sadd.s32 s0, s3;
	s0 =	sld [smem:$0x3FAE]  }
0x30: {  	s3 =	sld [smem:$0x3FB1]  }
0x31: {  	[smem:$0x3FBA] =	sst s10  }
0x32: {  	s10 =	sld [smem:$0x3FB8];
	_ =	sdelay $0x3  }
0x33: {  	p0 =	seq.s32 s10, $0x1;
	s10 =	sld [smem:$0x3FBA];
	_ =	sdelay $0x3  }
0x34: {  	[smem:$0x3FBA] =	sst s10  }
0x35: {  	s10 =	sld [smem:$0x3FB9];
	_ =	sdelay $0x3  }
0x36: {  	p1 =	seq.s32 s10, $0x1;
	s10 =	sld [smem:$0x3FBA];
	_ =	sdelay $0x3  }
0x37: {  	[smem:$0x3FBA] =	sst s10  }
0x38: {  	s10 =	sld [smem:$0x3FBB]  }
0x39: {  	_ = 	snop;
	(pc) =	sbr.ind lr, $3  }
0x3a: {  	_ = 	snop  }
0x3b: {  	_ = 	snop  }
0x3c: {  	p2 =	seq.s32 s10, $0x1;
	s10 =	sld [smem:$0x3FBA]  }
0x3d: {  	_ =	shalt  }
0x3e: {  	_ =	shalt  }
0x3f: {  	_ =	shalt  }
0x40: {  	_ =	shalt  }
0x41: {  	_ =	shalt  }
0x42: {  	_ =	shalt  }
0x43: {  	_ =	shalt  }
0x44: {  	_ =	shalt  }
0x45: {  	_ =	shalt  }
0x46: {  	_ =	shalt  }
0x47: {  	_ =	shalt  }
0x48: {  	_ =	shalt  }
0x49: {  	_ =	shalt  }
0x4a: {  	_ =	shalt  }
0x4b: {  	_ =	shalt  }
0x4c: {  	_ =	shalt  }
0x4d: {  	_ =	shalt  }
0x4e: {  	_ =	shalt  }
0x4f: {  	_ =	shalt  }
0x50: {  	_ =	shalt  }
0x51: {  	_ =	shalt  }
0x52: {  	_ =	shalt  }
0x53: {  	_ =	shalt  }
0x54: {  	_ =	shalt  }
0x55: {  	_ =	shalt  }
0x56: {  	_ =	shalt  }
0x57: {  	_ =	shalt  }
0x58: {  	_ =	shalt  }
0x59: {  	_ =	shalt  }
0x5a: {  	_ =	shalt  }
0x5b: {  	_ =	shalt  }
0x5c: {  	_ =	shalt  }
0x5d: {  	_ =	shalt  }
0x5e: {  	_ =	shalt  }
0x5f: {  	_ =	shalt  }
0x60: {  	_ =	shalt  }
0x61: {  	_ =	shalt  }
0x62: {  	_ =	shalt  }
0x63: {  	_ =	shalt  }
0x64: {  	_ =	shalt  }
0x65: {  	_ =	shalt  }
0x66: {  	_ =	shalt  }
0x67: {  	_ =	shalt  }
0x68: {  	_ =	shalt  }
0x69: {  	_ =	shalt  }
0x6a: {  	_ =	shalt  }
0x6b: {  	_ =	shalt  }
0x6c: {  	_ =	shalt  }
0x6d: {  	_ =	shalt  }
0x6e: {  	_ =	shalt  }
0x6f: {  	_ =	shalt  }
0x70: {  	_ =	shalt  }
0x71: {  	_ =	shalt  }
0x72: {  	_ =	shalt  }
0x73: {  	_ =	shalt  }
0x74: {  	_ =	shalt  }
0x75: {  	_ =	shalt  }
0x76: {  	_ =	shalt  }
0x77: {  	_ =	shalt  }
0x78: {  	_ =	shalt  }
0x79: {  	_ =	shalt  }
0x7a: {  	_ =	shalt  }
0x7b: {  	_ =	shalt  }
0x7c: {  	_ =	shalt  }
0x7d: {  	_ =	shalt  }
0x7e: {  	_ =	shalt  }
0x7f: {  	_ =	shalt  }
0x80: {  	_ =	shalt  }
0x81: {  	_ =	shalt  }
0x82: {  	_ =	shalt  }
0x83: {  	_ =	shalt  }
0x84: {  	_ =	shalt  }
0x85: {  	_ =	shalt  }
0x86: {  	_ =	shalt  }
0x87: {  	_ =	shalt  }
.Lfunc_end0:
.L_simem_size_0:
called_computation.1_lowered:
.L_overlay_start_0:
0x88: {  	s2 =	sld [smem:$0x3FD9]  }
0x89: {  	s3 =	sld [smem:$0x3FFE];
	_ =	sdelay $0x1  }
0x8a: {  	s1 =	srdreg.scid  }
0x8b: {  	s0 =	sand.u32 $0x1, s1  }
0x8c: {  	s17 =	sshll.u32 s0, $0xA;
	s2 =	sadd.s32 s3, s2  }
0x8d: {  	s2 =	sadd.s32 s2, s17  }
0x8e: {  	[smem:$0x3FC6] =	sst s2  }
0x8f: {  	_ = 	snop  }
0x90: {  	s2 =	sld [smem:$0x3FD0];
	(tm) =	ssettm $0x1  }
0x91: {  	s18 =	sld [smem:$0x3FFB];
	_ =	sdelay $0x3  }
0x92: {  	_ =	strace s18  }
0x93: {  	s3 =	sld [smem:$0x3FFC];
	_ =	sdelay $0x3  }
0x94: {  	_ =	strace s3  }
0x95: {  	s3 =	sld [smem:$0x3FFD];
	_ =	sdelay $0x3  }
0x96: {  	_ =	strace s3  }
0x97: {  	_ =	strace $0x8FFFFFFF  }
0x98: {  	s19 =	sld [smem:$0x3FDB];
	_ =	sdelay $0x1  }
0x99: {  	s4 =	simm.s32 $_scs_section_size  }
0x9a: {  	s5 =	simm.s32 $_size__tile_overlayer_lowered;
	s6 =	simm.s32 $_tile_overlayer_lowered  }
0x9b: {  	s22 =	simm.s32 $0x1BFF;
	s21 =	sshll.u32 s6, $0x1;
	s3 =	sadd.s32 s4, s19  }
0x9c: {  	s7 =	simm.s32 $0x0;
	s20 =	sshll.u32 s5, $0x1;
	s5 =	sadd.s32 s21, s3  }
0x9d: {  	[timem:s7], [sflag:s22] =	dma.local [hbm:s5], s20  }
0x9e: {  	_ =	swait.ge [sflag:s22], s20  }
0x9f: {  	s4 =	ssub.s32 $0x0, s20;
	[sflag:s22] =	ssyncset.done $0x0  }
0xa0: {  	[sflag:s22] =	ssyncadd.s32 s4;
	_ =	sdelay $0x1  }
0xa1: {  	s23 =	simm.s32 $0x1B8B  }
0xa2: {  	_ =	swait.ge [sflag:s23], $0x1  }
0xa3: {  	[sflag:s23] =	ssyncset.done $0x0  }
0xa4: {  	s25 =	simm.s32 $0x1B8E;
	s24 =	sld [smem:$0x3FFE];
	[sflag:s23] =	ssyncadd.s32 $0xFFFFFFFF  }
0xa5: {  	s26 =	simm.s32 $execute0_lowered;
	[smem:$0x3FD2] =	sst s25  }
0xa6: {  	s5 =	sshll.u32 s26, $0x1;
	_ =	strace $0x80000049;
	[dreg:$0x1] =	wrdreg $0xFFFFFFFF  }
0xa7: {  	s28 =	simm.s32 $_size_execute0_lowered;
	s3 =	sadd.s32 s3, s5;
	[dreg:$0x0] =	wrdreg $0x0  }
0xa8: {  	s5 =	sshll.u32 s28, $0x1;
	[dreg:$0x2] =	wrdreg s3  }
0xa9: {  	[dreg:$0x3] =	wrdreg s5  }
0xaa: {  	[dreg:$0x4] =	wrdreg $0xC0  }
0xab: {  	_ =	task [dreg:s7], $0x5FFFF  }
0xac: {  	[dreg:$0x1] =	wrdreg $0xFFFFFFFF  }
0xad: {  	[dreg:$0x0] =	wrdreg $0x60  }
0xae: {  	[dreg:$0x2] =	wrdreg s24  }
0xaf: {  	[dreg:$0x3] =	wrdreg s2  }
0xb0: {  	[dreg:$0x4] =	wrdreg $0x9  }
0xb1: {  	_ =	task.clear_ibuf [dreg:s7], $0x5FFFF;
	_ =	strace $0x90000049  }
0xb2: {  	s29 =	simm.s32 $0x9;
	_ =	strace $0x8000004B  }
0xb3: {  	_ =	swait.ge [sflag:s29], $0x1  }
0xb4: {  	[sflag:s29] =	ssyncadd.s32 $0xFFFFFFFF  }
0xb5: {  	_ =	strace $0x9000004B  }
0xb6: {  	_ =	sfence  }
0xb7: {  	s30 =	sld [smem:$0x0];
	_ =	sdelay $0x2  }
0xb8: {  	s31 =	sshll.u32 s1, $0xD;
	s1 =	sshrl.u32 s1, $0x2  }
0xb9: {  	s3 =	sand.u32 $0x4000, s31;
	s1 =	sadd.s32 s1, s30  }
0xba: {  	s0 =	sor.u32 s3, s0;
	s1 =	sshll.u32 s1, $0x11  }
0xbb: {  	s0 =	sor.u32 s1, s0  }
0xbc: {  	s0 =	sadd.s32 $0x8F2B, s0  }
0xbd: {  	[sflag:s0] =	ssyncadd.remote.s32 $0x1  }
0xbe: {  	_ =	sfence.sel $0xFFFF  }
0xbf: {  	[dreg:$0x0] =	wrdreg $0xFFFFFFFF;
	(pc) =	sbr.abs _section_cstart, $3  }
0xc0: {  	[dreg:$0x1] =	wrdreg $0xFFFFFFFF  }
0xc1: {  	_ =	task.clear_ibuf [dreg:s7], $0x2FFFF;
	_ =	strace $0x9FFFFFFF  }
0xc2: {  	(tm) =	ssettm $0x7FFFFFFF  }
0xc3: {  	_ =	shalt  }
tec
execute0_lowered:
.L_overlay_start_1:
0x0: {  	(tag) =	ssettag $0x1  }
0x1: {  	s4 =	rddreg [dreg:$0x0];
	s1 =	srdreg.scid  }
0x2: {  	s0 =	stileid.u32;
	s2 =	rddreg [dreg:$0x1]  }
0x3: {  	s3 =	simm.s32 $0x0;
	s9 =	simm.s32 $0x100;
	s10 =	simm.s32 $0x6400  }
0x4: {  	s11 =	simm.s32 $0xA400;
	s12 =	simm.s32 $0x1;
	s13 =	simm.s32 $0xE400  }
0x5: {  	s14 =	simm.s32 $0x2;
	s15 =	simm.s32 $0x12800;
	s16 =	simm.s32 $0x3  }
0x6: {  	s17 =	simm.s32 $0x4;
	s5 =	sand.u32 $0x1, s1;
	s6 =	sshll.u32 s0, $0x1  }
0x7: {  	s18 =	simm.s32 $0x0;
	s6 =	sor.u32 s5, s6;
	s5 =	ssub.s32 $0x2, s5  }
0x8: {  	v0 =	vlaneseq.u32;
	[smem:$0x7FF] =	sst s3;
	s7 =	smul.u32 $0xC80, s6;
	s8 =	sshrl.u32 s5, $0x1  }
0x9: {  	s1 =	rddreg [dreg:$0x2];
	v0 =	vmul.u32 $0x88, v0;
	_ =	strace $0x8000004A;
	s8 =	ssub.s32 s5, s8  }
0xa: {  	s5 =	smul.u32 $0xC8, s6;
	s7 =	sadd.s32 s7, s4;
	s4 =	sadd.s32 $0xF5BE00, s4  }
0xb: {  	v1 =	vadd.s32 $0x880, v0;
	v2 =	vadd.s32 $0x1100, v0;
	v3 =	vadd.s32 $0x1980, v0;
	s6 =	sadd.s32 $0xF42E00, s7;
	s7 =	smax.u32 s8, $0x1;
	s8 =	simm.s32 $0x5  }
.LBB2_1:
0xc: {  	[tilespmem:s3], [sflag:$0x5] =	stream.linear.gather [hbm4b:s6+s3], $0x6400, $0x38;
	[tilespmem:$0x16C00] =	vst v63  }
0xd: {  	_ =	swait.ge [sflag:s8], $0x6400  }
0xe: {  	[sflag:s8] =	ssyncset.done $0x0  }
0xf: {  	[sflag:s8] =	ssyncadd.s32 $0xFFFF9C00  }
0x10: {  	[tilespmem:s10], [sflag:$0x1] =	stream.indirect.gather [hbm4b:s4+s9], $0x40, s3, s9, $0xb8;
	[tilespmem:$0x16C00] =	vst v63  }
0x11: {  	s19 =	simm.s32 $0x0  }
0x12: {  	[tilespmem:s11], [sflag:$0x2] =	stream.indirect.gather [hbm4b:s4+s9], $0x40, s9, s9, $0xb8;
	[tilespmem:$0x16C00] =	vst v63  }
.LBB2_2:
0x13: {  	p0 =	seq.s32 s19, $0x0  }
0x14: {  	s20 =	simm.s32 @!p0 $0x3  }
0x15: {  	_ =	swait.ge @!p0 [sflag:s20], $0x2000  }
0x16: {  	s21 =	simm.s32 $0x0;
	[sflag:s20] =	ssyncset.done @!p0 $0x0  }
0x17: {  	v4 =	vmov s21;
	[sflag:s20] =	ssyncadd.s32 @!p0 $0xFFFFE000  }
0x18: {  	v4 =	vmul.u32 $0x2200, v4;
	_ =	swait.ge @!p0 [sflag:s20], $0x2000  }
0x19: {  	s31 =	simm.s32 $0x3;
	s24 =	simm.s32 $0x2;
	[sflag:s20] =	ssyncset.done @!p0 $0x0  }
0x1a: {  	s22 =	simm.s32 $0x1;
	v5 =	vmov s31;
	v8 =	vmov s24;
	v7 =	vbroadcast v4, $0x0;
	[sflag:s20] =	ssyncadd.s32 @!p0 $0xFFFFE000  }
0x1b: {  	s30 =	simm.s32 $0x0;
	v11 =	vand.u32 $0x78, v5;
	v16 =	vand.u32 $0x7, v5;
	v5 =	vmov s22;
	_ =	swait.ge [sflag:s12], $0x4000  }
0x1c: {  	v19 =	vand.u32 $0x5, v5;
	v4 =	vmov s30;
	v6 =	vadd.s32 v0, v7;
	[sflag:s12] =	ssyncset.done $0x0  }
0x1d: {  	s23 =	simm.s32 $0x6480;
	v9 =	vand.u32 $0x4, v4;
	v12 =	vand.u32 $0x78, v4;
	v4 =	vadd.s32 v11, v6;
	[sflag:s12] =	ssyncadd.s32 $0xFFFFC000  }
0x1e: {  	v17 =	vand.u32 $0x78, v5;
	v5 =	vadd.s32 v12, v6;
	v4 =	vor.u32 v16, v4;
	v10 =	vld [tilespmem:s23+$0x40]  }
0x1f: {  	v18 =	vand.u32 $0x78, v8;
	v13 =	vadd.s32 v17, v6;
	v15 =	vor.u32 v9, v5;
	v14 =	vld [tilespmem:s23+$0xFFFFFF80]  }
0x20: {  	v23 =	vand.u32 $0x6, v8;
	v8 =	vor.u32 v19, v13;
	v5 =	vadd.s32 v18, v6;
	v6 =	vld [tilespmem:s23+$0xFFFFFFC0]  }
0x21: {  	v21 =	vadd.s32 v1, v7;
	v13 =	vor.u32 v23, v5;
	v20 =	vld [tilespmem:s23+$0x0]  }
0x22: {  	v27 =	vadd.s32 v2, v7;
	v22 =	vadd.s32 v12, v21  }
0x23: {  	v28 =	vadd.s32 v12, v27;
	[tilespmem:v4+s13+$0x0] =	vst.idx.msk $0xffff, v10;
	v4 =	vadd.s32 v11, v21  }
0x24: {  	v29 =	vadd.s32 v17, v27;
	[tilespmem:v15+s13+$0x0] =	vst.idx.msk $0xffff, v14;
	v24 =	vld [tilespmem:s23+$0x50];
	v4 =	vor.u32 v16, v4  }
0x25: {  	s28 =	simm.s32 $0x6;
	v22 =	vor.u32 v9, v22;
	v14 =	vadd.s32 v17, v21;
	[tilespmem:v8+s13+$0x0] =	vst.idx.msk $0xffff, v6;
	v15 =	vld [tilespmem:s23+$0xFFFFFF90]  }
0x26: {  	s25 =	simm.s32 $0x4;
	s29 =	simm.s32 $0x0;
	v25 =	vmov s28;
	v6 =	vadd.s32 v18, v21;
	[tilespmem:v13+s13+$0x0] =	vst.idx.msk $0xffff, v20;
	v21 =	vld [tilespmem:s23+$0xFFFFFFD0];
	v14 =	vor.u32 v19, v14  }
0x27: {  	s26 =	simm.s32 $0x5;
	v10 =	vmov s25;
	v13 =	vmov s29;
	v20 =	vor.u32 v23, v6;
	v26 =	vld [tilespmem:s23+$0x10]  }
0x28: {  	v8 =	vmov s26;
	v5 =	vand.u32 $0x4, v10;
	v13 =	vmul.u32 $0x2200, v13  }
0x29: {  	v10 =	vand.u32 $0x78, v10;
	v6 =	vand.u32 $0x5, v8;
	[tilespmem:v4+s13+$0x0] =	vst.idx.msk $0xffff, v24;
	v24 =	vadd.s32 v11, v27  }
0x2a: {  	s30 =	simm.s32 $0x7;
	v13 =	vbroadcast v13, $0x0;
	[tilespmem:v22+s13+$0x0] =	vst.idx.msk $0xffff, v15;
	v22 =	vor.u32 v9, v28;
	v30 =	vld [tilespmem:s23+$0x60];
	v24 =	vor.u32 v16, v24  }
0x2b: {  	v15 =	vadd.s32 v18, v27;
	[tilespmem:v14+s13+$0x0] =	vst.idx.msk $0xffff, v21;
	v14 =	vmov s30;
	v21 =	vor.u32 v19, v29;
	v27 =	vld [tilespmem:s23+$0xFFFFFFA0]  }
0x2c: {  	[tilespmem:v20+s13+$0x0] =	vst.idx.msk $0xffff, v26;
	v20 =	vadd.s32 v0, v13;
	v29 =	vadd.s32 v3, v7;
	v7 =	vand.u32 $0x78, v25  }
0x2d: {  	v31 =	vor.u32 v23, v15;
	v28 =	vld [tilespmem:s23+$0xFFFFFFE0];
	v15 =	vand.u32 $0x78, v14;
	v11 =	vadd.s32 v11, v29  }
0x2e: {  	s21 =	simm.s32 $0x6580;
	v32 =	vld [tilespmem:s23+$0x20];
	v14 =	vand.u32 $0x7, v14;
	v26 =	vadd.s32 v15, v20;
	v11 =	vor.u32 v16, v11  }
0x2f: {  	v4 =	vand.u32 $0x6, v25;
	v25 =	vld [tilespmem:s21+$0x40];
	v16 =	vadd.s32 v7, v20;
	v26 =	vor.u32 v14, v26;
	[tilespmem:v24+s13+$0x0] =	vst.idx.msk $0xffff, v30  }
0x30: {  	v8 =	vand.u32 $0x78, v8;
	v35 =	vor.u32 v4, v16;
	v24 =	vadd.s32 v10, v20;
	[tilespmem:v22+s13+$0x0] =	vst.idx.msk $0xffff, v27;
	v27 =	vld [tilespmem:s21+$0x0]  }
0x31: {  	v34 =	vld [tilespmem:s21+$0xFFFFFF80];
	v30 =	vadd.s32 v8, v20;
	v24 =	vor.u32 v5, v24  }
0x32: {  	v12 =	vadd.s32 v12, v29;
	v20 =	vld [tilespmem:s21+$0xFFFFFFC0];
	[tilespmem:v21+s13+$0x0] =	vst.idx.msk $0xffff, v28;
	v30 =	vor.u32 v6, v30  }
0x33: {  	v36 =	vadd.s32 v17, v29;
	v37 =	vadd.s32 v18, v29;
	[tilespmem:v31+s13+$0x0] =	vst.idx.msk $0xffff, v32;
	v33 =	vld [tilespmem:s23+$0x70]  }
0x34: {  	s24 =	simm.s32 $0x8;
	v17 =	vadd.s32 v1, v13;
	v39 =	vor.u32 v9, v12;
	v38 =	vld [tilespmem:s23+$0xFFFFFFB0];
	[tilespmem:v26+s13+$0x0] =	vst.idx.msk $0xffff, v25  }
0x35: {  	v12 =	vmov s24;
	v18 =	vadd.s32 v10, v17;
	v21 =	vadd.s32 v15, v17;
	v16 =	vld [tilespmem:s23+$0xFFFFFFF0];
	[tilespmem:v35+s13+$0x0] =	vst.idx.msk $0xffff, v27  }
0x36: {  	s31 =	simm.s32 $0x9;
	s25 =	simm.s32 $0x0;
	v9 =	vand.u32 $0x4, v12;
	v29 =	vor.u32 v5, v18;
	v28 =	vor.u32 v14, v21;
	[tilespmem:v24+s13+$0x0] =	vst.idx.msk $0xffff, v34;
	v24 =	vld [tilespmem:s21+$0x50]  }
0x37: {  	v18 =	vmov s31;
	v31 =	vmov s25;
	v26 =	vadd.s32 v8, v17;
	[tilespmem:v30+s13+$0x0] =	vst.idx.msk $0xffff, v20;
	v25 =	vld [tilespmem:s21+$0xFFFFFF90]  }
0x38: {  	s22 =	simm.s32 $0xA;
	v26 =	vor.u32 v6, v26;
	[tilespmem:v11+s13+$0x0] =	vst.idx.msk $0xffff, v33;
	v11 =	vand.u32 $0x78, v12;
	v12 =	vadd.s32 v7, v17;
	v22 =	vld [tilespmem:s21+$0xFFFFFFD0]  }
0x39: {  	s20 =	sshll.u32 s19, $0x2;
	v17 =	vmov s22;
	v27 =	vld [tilespmem:s21+$0x10];
	v20 =	vor.u32 v19, v36;
	v21 =	vor.u32 v4, v12  }
0x3a: {  	s25 =	simm.s32 $0xC;
	v19 =	vor.u32 v23, v37;
	s22 =	sadd.s32 s5, s20;
	v30 =	vadd.s32 v2, v13;
	[tilespmem:v39+s13+$0x0] =	vst.idx.msk $0xffff, v38;
	v23 =	vld [tilespmem:s23+$0x30];
	s23 =	simm.s32 $0x6580;
	v12 =	vand.u32 $0x5, v18  }
.LBB2_3:
0x3b: {  	p1 =	slt.u32 s25, $0xFC;
	v31 =	vmul.u32 $0x2200, v31;
	v32 =	vadd.s32 v10, v30;
	[tilespmem:v28+s13+$0x0] =	vst.idx.msk $0xffff, v24;
	v24 =	vadd.s32 v15, v30  }
0x3c: {  	v33 =	vand.u32 $0x6, v17;
	[tilespmem:v29+s13+$0x0] =	vst.idx.msk $0xffff, v25;
	v25 =	vadd.s32 v8, v30;
	v28 =	vld [tilespmem:s21+$0x60];
	v24 =	vor.u32 v14, v24  }
0x3d: {  	s26 =	sadd.s32 $0x3, s24;
	s24 =	smov.u32 s25;
	v32 =	vor.u32 v5, v32;
	v29 =	vbroadcast v31, $0x0;
	v31 =	vld [tilespmem:s21+$0xFFFFFFA0];
	[tilespmem:v26+s13+$0x0] =	vst.idx.msk $0xffff, v22;
	v22 =	vadd.s32 v7, v30  }
0x3e: {  	v26 =	vmov s26;
	v25 =	vor.u32 v6, v25;
	v30 =	vld [tilespmem:s21+$0xFFFFFFE0];
	[tilespmem:v21+s13+$0x0] =	vst.idx.msk $0xffff, v27;
	v34 =	vor.u32 v4, v22  }
0x3f: {  	v18 =	vand.u32 $0x78, v18;
	v22 =	vand.u32 $0x78, v26;
	v21 =	vadd.s32 v0, v29;
	v35 =	vld [tilespmem:s21+$0x20];
	[tilespmem:v20+s13+$0x0] =	vst.idx.msk $0xffff, v16  }
0x40: {  	v16 =	vand.u32 $0x7, v26;
	v26 =	vadd.s32 v3, v13;
	s21 =	sadd.s32 $0x100, s21;
	v20 =	vadd.s32 v22, v21;
	[tilespmem:v19+s13+$0x0] =	vst.idx.msk $0xffff, v23  }
0x41: {  	v17 =	vand.u32 $0x78, v17;
	v19 =	vld [tilespmem:s21+$0x40];
	v20 =	vor.u32 v16, v20;
	[tilespmem:v24+s13+$0x0] =	vst.idx.msk $0xffff, v28;
	v28 =	vadd.s32 v15, v26  }
0x42: {  	v13 =	vmovc v29;
	v36 =	vadd.s32 v11, v21;
	v23 =	vadd.s32 v18, v21;
	v24 =	vld [tilespmem:s23+$0x70];
	v27 =	vor.u32 v14, v28  }
0x43: {  	v37 =	vadd.s32 v17, v21;
	v29 =	vor.u32 v9, v36;
	v23 =	vor.u32 v12, v23;
	v15 =	vmovc v22;
	v28 =	vld [tilespmem:s21+$0xFFFFFF80]  }
0x44: {  	v10 =	vadd.s32 v10, v26;
	v36 =	vor.u32 v33, v37;
	v14 =	vmov v16;
	v21 =	vld [tilespmem:s21+$0xFFFFFFC0];
	[tilespmem:v32+s13+$0x0] =	vst.idx.msk $0xffff, v31  }
0x45: {  	v32 =	vadd.s32 v7, v26;
	v31 =	vld [tilespmem:s21+$0x0];
	[tilespmem:v25+s13+$0x0] =	vst.idx.msk $0xffff, v30;
	v30 =	vadd.s32 v8, v26;
	v8 =	vmov v18  }
0x46: {  	v38 =	vor.u32 v5, v10;
	v7 =	vmov v17;
	v18 =	vadd.s32 v1, v13;
	[tilespmem:v20+s13+$0x0] =	vst.idx.msk $0xffff, v19;
	v37 =	vld [tilespmem:s23+$0xFFFFFFB0]  }
0x47: {  	v10 =	vmov s25;
	v5 =	vmovc v9;
	v17 =	vadd.s32 v11, v18;
	v19 =	vadd.s32 v15, v18;
	v16 =	vld [tilespmem:s23+$0xFFFFFFF0];
	[tilespmem:v27+s13+$0x0] =	vst.idx.msk $0xffff, v24  }
.Ltmp0:
0x48: {  	v9 =	vand.u32 $0x4, v10;
	v20 =	vadd.s32 v8, v18;
	[tilespmem:v29+s13+$0x0] =	vst.idx.msk $0xffff, v28;
	v24 =	vld [tilespmem:s21+$0x50];
	v28 =	vor.u32 v14, v19;
	(pc) =	sbr.rel @p1 .LBB2_3-.Ltmp0, $4  }
0x49: {  	s26 =	sadd.s32 $0x1, s25;
	v39 =	vand.u32 $0x78, v10;
	v29 =	vor.u32 v5, v17;
	v17 =	vadd.s32 v7, v18;
	v25 =	vld [tilespmem:s21+$0xFFFFFF90];
	[tilespmem:v23+s13+$0x0] =	vst.idx.msk $0xffff, v21  }
0x4a: {  	v10 =	vmovc v11;
	v26 =	vor.u32 v12, v20;
	v18 =	vmov s26;
	s26 =	sadd.s32 $0x2, s25;
	v21 =	vor.u32 v33, v17;
	v22 =	vld [tilespmem:s21+$0xFFFFFFD0];
	[tilespmem:v36+s13+$0x0] =	vst.idx.msk $0xffff, v31  }
0x4b: {  	s28 =	sshrl.u32 s25, $0x7;
	v20 =	vor.u32 v6, v30;
	v19 =	vor.u32 v4, v32;
	v4 =	vmovc v33;
	v17 =	vmov s26;
	v27 =	vld [tilespmem:s21+$0x10];
	[tilespmem:v34+s13+$0x0] =	vst.idx.msk $0xffff, v35  }
0x4c: {  	v11 =	vmovc v39;
	v30 =	vadd.s32 v2, v13;
	v6 =	vmovc v12;
	s25 =	sadd.s32 $0x4, s25;
	v12 =	vand.u32 $0x5, v18;
	v31 =	vmov s28;
	[tilespmem:v38+s13+$0x0] =	vst.idx.msk $0xffff, v37;
	v23 =	vld [tilespmem:s23+$0x30];
	s23 =	smov.u32 s21  }
0x4d: {  	_ =	sdelay $0x2  }
0x4e: {  	v31 =	vmul.u32 $0x2200, v31  }
0x4f: {  	v32 =	vadd.s32 v10, v30;
	v33 =	vadd.s32 v15, v30;
	[tilespmem:v28+s13+$0x0] =	vst.idx.msk $0xffff, v24;
	v24 =	vand.u32 $0x6, v17  }
0x50: {  	v44 =	vadd.s32 v8, v30;
	s24 =	sadd.s32 $0x3, s24;
	v49 =	vadd.s32 v7, v30;
	v31 =	vbroadcast v31, $0x0  }
0x51: {  	v18 =	vand.u32 $0x78, v18;
	[tilespmem:v20+s13+$0x0] =	vst.idx.msk $0xffff, v16;
	v13 =	vadd.s32 v3, v13;
	v47 =	vmov s24  }
0x52: {  	[tilespmem:v29+s13+$0x0] =	vst.idx.msk $0xffff, v25;
	v45 =	vor.u32 v14, v33;
	v48 =	vld [tilespmem:s21+$0x60];
	v30 =	vand.u32 $0x78, v47;
	v50 =	vadd.s32 v0, v31  }
0x53: {  	s30 =	sadd.s32 $0x100, s21;
	v46 =	vor.u32 v5, v32;
	v34 =	vld [tilespmem:s21+$0xFFFFFFA0];
	[tilespmem:v21+s13+$0x0] =	vst.idx.msk $0xffff, v27;
	v21 =	vand.u32 $0x7, v47;
	v51 =	vadd.s32 v30, v50  }
0x54: {  	v28 =	vor.u32 v6, v44;
	v52 =	vld [tilespmem:s30+$0x40];
	v54 =	vadd.s32 v11, v50;
	v53 =	vor.u32 v21, v51  }
0x55: {  	v17 =	vand.u32 $0x78, v17;
	v56 =	vld [tilespmem:s30+$0xFFFFFF80];
	[tilespmem:v26+s13+$0x0] =	vst.idx.msk $0xffff, v22;
	v55 =	vadd.s32 v18, v50;
	v27 =	vor.u32 v9, v54  }
0x56: {  	v57 =	vld [tilespmem:s30+$0xFFFFFFC0];
	[tilespmem:v19+s13+$0x0] =	vst.idx.msk $0xffff, v23;
	v26 =	vadd.s32 v17, v50;
	v19 =	vor.u32 v12, v55  }
0x57: {  	v59 =	vld [tilespmem:s30+$0x0];
	v61 =	vadd.s32 v15, v13;
	[tilespmem:v45+s13+$0x0] =	vst.idx.msk $0xffff, v48;
	v58 =	vor.u32 v24, v26  }
0x58: {  	v41 =	vadd.s32 v10, v13;
	v60 =	vld [tilespmem:s21+$0xFFFFFFE0];
	v62 =	vadd.s32 v1, v31;
	[tilespmem:v46+s13+$0x0] =	vst.idx.msk $0xffff, v34  }
0x59: {  	v22 =	vor.u32 v4, v49;
	v42 =	vld [tilespmem:s21+$0x20];
	v36 =	vadd.s32 v30, v62;
	[tilespmem:v53+s13+$0x0] =	vst.idx.msk $0xffff, v52  }
0x5a: {  	v37 =	vadd.s32 v11, v62;
	v15 =	vor.u32 v21, v36;
	[tilespmem:v27+s13+$0x0] =	vst.idx.msk $0xffff, v56;
	v20 =	vld [tilespmem:s30+$0x50]  }
0x5b: {  	v38 =	vadd.s32 v18, v62;
	v16 =	vor.u32 v9, v37;
	[tilespmem:v19+s13+$0x0] =	vst.idx.msk $0xffff, v57;
	v27 =	vld [tilespmem:s30+$0xFFFFFF90]  }
0x5c: {  	v39 =	vadd.s32 v17, v62;
	v23 =	vor.u32 v12, v38;
	[tilespmem:v58+s13+$0x0] =	vst.idx.msk $0xffff, v59;
	v40 =	vld [tilespmem:s30+$0xFFFFFFD0]  }
0x5d: {  	v43 =	vadd.s32 v8, v13;
	[tilespmem:v28+s13+$0x0] =	vst.idx.msk $0xffff, v60;
	v19 =	vor.u32 v24, v39;
	v25 =	vld [tilespmem:s30+$0x10]  }
0x5e: {  	v35 =	vor.u32 v14, v61;
	v44 =	vadd.s32 v2, v31;
	v63 =	vld [tilespmem:s23+$0x70];
	[tilespmem:v22+s13+$0x0] =	vst.idx.msk $0xffff, v42  }
0x5f: {  	v5 =	vor.u32 v5, v41;
	v46 =	vadd.s32 v30, v44;
	v45 =	vld [tilespmem:s23+$0xFFFFFFB0];
	[tilespmem:v15+s13+$0x0] =	vst.idx.msk $0xffff, v20  }
0x60: {  	v47 =	vadd.s32 v11, v44;
	v10 =	vor.u32 v21, v46;
	[tilespmem:v16+s13+$0x0] =	vst.idx.msk $0xffff, v27;
	v48 =	vld [tilespmem:s30+$0x60]  }
0x61: {  	v49 =	vadd.s32 v18, v44;
	v15 =	vor.u32 v9, v47;
	[tilespmem:v23+s13+$0x0] =	vst.idx.msk $0xffff, v40;
	v27 =	vld [tilespmem:s30+$0xFFFFFFA0]  }
0x62: {  	v14 =	vadd.s32 v17, v44;
	v20 =	vor.u32 v12, v49;
	[tilespmem:v19+s13+$0x0] =	vst.idx.msk $0xffff, v25;
	v23 =	vld [tilespmem:s30+$0xFFFFFFE0]  }
0x63: {  	v50 =	vadd.s32 v7, v13;
	v51 =	vor.u32 v24, v14;
	[tilespmem:v35+s13+$0x0] =	vst.idx.msk $0xffff, v63;
	v52 =	vld [tilespmem:s30+$0x20]  }
0x64: {  	v4 =	vor.u32 v4, v50;
	v55 =	vld [tilespmem:s23+$0x30];
	[tilespmem:v5+s13+$0x0] =	vst.idx.msk $0xffff, v45;
	v5 =	vadd.s32 v3, v31  }
0x65: {  	v54 =	vor.u32 v6, v43;
	v53 =	vld [tilespmem:s23+$0xFFFFFFF0];
	v56 =	vadd.s32 v30, v5;
	[tilespmem:v10+s13+$0x0] =	vst.idx.msk $0xffff, v48  }
0x66: {  	v57 =	vadd.s32 v11, v5;
	v8 =	vor.u32 v21, v56;
	[tilespmem:v15+s13+$0x0] =	vst.idx.msk $0xffff, v27;
	v10 =	vld [tilespmem:s30+$0x70]  }
0x67: {  	v58 =	vadd.s32 v18, v5;
	v60 =	vor.u32 v9, v57;
	[tilespmem:v20+s13+$0x0] =	vst.idx.msk $0xffff, v23;
	v59 =	vld [tilespmem:s30+$0xFFFFFFB0]  }
0x68: {  	v5 =	vadd.s32 v17, v5;
	v62 =	vor.u32 v12, v58;
	[tilespmem:v51+s13+$0x0] =	vst.idx.msk $0xffff, v52;
	v61 =	vld [tilespmem:s30+$0xFFFFFFF0]  }
0x69: {  	v5 =	vor.u32 v24, v5;
	[tilespmem:v4+s13+$0x0] =	vst.idx.msk $0xffff, v55;
	v63 =	vld [tilespmem:s30+$0x30]  }
0x6a: {  	[tilespmem:v54+s13+$0x0] =	vst.idx.msk $0xffff, v53  }
0x6b: {  	p1 =	seq.s32 s19, $0x31;
	[tilespmem:v8+s13+$0x0] =	vst.idx.msk $0xffff, v10  }
0x6c: {  	s21 =	sshll.u32 @!p1 s19, $0x9;
	[tilespmem:v60+s13+$0x0] =	vst.idx.msk $0xffff, v59  }
0x6d: {  	s21 =	sand.u32 @!p1 $0x3FFFFE00, s21;
	[tilespmem:v62+s13+$0x0] =	vst.idx.msk $0xffff, v61  }
0x6e: {  	s24 =	simm.s32 @!p1 $0x100;
	s25 =	simm.s32 @!p1 $0x6400;
	s23 =	sadd.s32 @!p1 $0x200, s21;
	[tilespmem:v5+s13+$0x0] =	vst.idx.msk $0xffff, v63  }
0x6f: {  	[tilespmem:s25], [sflag:$0x1] =	stream.indirect.gather @!p1 [hbm4b:s4+s24], $0x40, s23, s24, $0xb8;
	[tilespmem:$0x16C00] =	vst v63  }
0x70: {  	s31 =	sshll.u32 s22, $0xD;
	s24 =	sshll.u32 s22, $0xA  }
0x71: {  	s23 =	sand.u32 $0x7FFC0000, s31;
	s22 =	sand.u32 $0x7000, s24  }
0x72: {  	s22 =	sor.u32 s22, s23  }
0x73: {  	s22 =	sshrl.u32 s22, $0x3  }
0x74: {  	s25 =	simm.s32 $0xE400;
	s24 =	sadd.s32 s2, s22  }
0x75: {  	[hbm4b:s24+s3] =	stream.linear.scatter [tilespmem:s25], [sflag:$0x3], $0x80, $0x38;
	[tilespmem:$0x16C00] =	vst v63  }
0x76: {  	s26 =	simm.s32 $0xE488;
	s29 =	sadd.s32 $0x10, s24  }
0x77: {  	[hbm4b:s29+s3] =	stream.linear.scatter [tilespmem:s26], [sflag:$0x3], $0x80, $0x38;
	[tilespmem:$0x16C00] =	vst v63  }
0x78: {  	s30 =	simm.s32 $0xE510;
	s23 =	simm.s32 $0x440;
	s31 =	sadd.s32 $0x20, s24  }
0x79: {  	[hbm4b:s31+s3] =	stream.linear.scatter [tilespmem:s30], [sflag:$0x3], $0x80, $0x38;
	[tilespmem:$0x16C00] =	vst v63  }
0x7a: {  	s25 =	simm.s32 $0x2200;
	s26 =	simm.s32 $0xE598;
	s29 =	sadd.s32 $0x30, s24  }
0x7b: {  	[hbm4b:s29+s3] =	stream.linear.scatter [tilespmem:s26], [sflag:$0x3], $0x80, $0x38;
	[tilespmem:$0x16C00] =	vst v63  }
0x7c: {  	s28 =	sadd.s32 $0x70, s24;
	s30 =	simm.s32 $0xE620;
	s31 =	sadd.s32 $0x40, s24  }
0x7d: {  	[hbm4b:s31+s3] =	stream.linear.scatter [tilespmem:s30], [sflag:$0x3], $0x80, $0x38;
	[tilespmem:$0x16C00] =	vst v63  }
0x7e: {  	s26 =	simm.s32 $0xE6A8;
	s29 =	sadd.s32 $0x50, s24;
	s30 =	simm.s32 $0xE730  }
0x7f: {  	[hbm4b:s29+s3] =	stream.linear.scatter [tilespmem:s26], [sflag:$0x3], $0x80, $0x38;
	[tilespmem:$0x16C00] =	vst v63  }
0x80: {  	s31 =	sadd.s32 $0x60, s24;
	s24 =	sadd.s32 $0x1000, s24;
	s26 =	simm.s32 $0xE7B8  }
0x81: {  	[hbm4b:s31+s3] =	stream.linear.scatter [tilespmem:s30], [sflag:$0x3], $0x80, $0x38;
	[tilespmem:$0x16C00] =	vst v63  }
.LBB2_5:
0x82: {  	[hbm4b:s28+s3] =	stream.linear.scatter [tilespmem:s26], [sflag:$0x3], $0x80, $0x38;
	[tilespmem:$0x16C00] =	vst v63  }
0x83: {  	s26 =	smov.u32 s23;
	s23 =	smov.u32 s25  }
0x84: {  	s29 =	sadd.s32 $0x1100, s25;
	s23 =	sshra.s32 s23, $0x2;
	s28 =	sadd.s32 $0xE400, s26  }
0x85: {  	[hbm4b:s24+s3] =	stream.linear.scatter [tilespmem:s28], [sflag:$0x3], $0x80, $0x38;
	[tilespmem:$0x16C00] =	vst v63  }
0x86: {  	p2 =	sne.s32 s25, $0x7700;
	s25 =	sadd.s32 $0xE488, s26;
	s28 =	sadd.s32 $0x10, s24  }
0x87: {  	[hbm4b:s28+s3] =	stream.linear.scatter [tilespmem:s25], [sflag:$0x3], $0x80, $0x38;
	[tilespmem:$0x16C00] =	vst v63  }
0x88: {  	s25 =	sadd.s32 $0xE510, s26;
	s28 =	sadd.s32 $0x20, s24  }
0x89: {  	[hbm4b:s28+s3] =	stream.linear.scatter [tilespmem:s25], [sflag:$0x3], $0x80, $0x38;
	[tilespmem:$0x16C00] =	vst v63  }
0x8a: {  	s25 =	sadd.s32 $0xE598, s26;
	s28 =	sadd.s32 $0x30, s24  }
0x8b: {  	[hbm4b:s28+s3] =	stream.linear.scatter [tilespmem:s25], [sflag:$0x3], $0x80, $0x38;
	[tilespmem:$0x16C00] =	vst v63  }
0x8c: {  	s25 =	sadd.s32 $0xE620, s26;
	s28 =	sadd.s32 $0x40, s24  }
0x8d: {  	[hbm4b:s28+s3] =	stream.linear.scatter [tilespmem:s25], [sflag:$0x3], $0x80, $0x38;
	[tilespmem:$0x16C00] =	vst v63  }
.Ltmp1:
0x8e: {  	s25 =	sadd.s32 $0xE6A8, s26;
	s28 =	sadd.s32 $0x50, s24;
	(pc) =	sbr.rel @p2 .LBB2_5-.Ltmp1, $4  }
0x8f: {  	[hbm4b:s28+s3] =	stream.linear.scatter [tilespmem:s25], [sflag:$0x3], $0x80, $0x38;
	[tilespmem:$0x16C00] =	vst v63  }
0x90: {  	s25 =	sadd.s32 $0xE730, s26;
	s28 =	sadd.s32 $0x60, s24;
	s26 =	sadd.s32 $0xE7B8, s26  }
0x91: {  	[hbm4b:s28+s3] =	stream.linear.scatter [tilespmem:s25], [sflag:$0x3], $0x80, $0x38;
	[tilespmem:$0x16C00] =	vst v63  }
0x92: {  	s28 =	sadd.s32 $0x70, s24;
	s24 =	sadd.s32 $0x1000, s24;
	s25 =	smov.u32 s29  }
0x93: {  	[hbm4b:s28+s3] =	stream.linear.scatter [tilespmem:s26], [sflag:$0x3], $0x80, $0x38;
	[tilespmem:$0x16C00] =	vst v63  }
0x94: {  	s25 =	sadd.s32 $0xE400, s23  }
0x95: {  	[hbm4b:s24+s3] =	stream.linear.scatter [tilespmem:s25], [sflag:$0x3], $0x80, $0x38;
	[tilespmem:$0x16C00] =	vst v63  }
0x96: {  	s30 =	sadd.s32 $0xE488, s23;
	s31 =	sadd.s32 $0x10, s24  }
0x97: {  	[hbm4b:s31+s3] =	stream.linear.scatter [tilespmem:s30], [sflag:$0x3], $0x80, $0x38;
	[tilespmem:$0x16C00] =	vst v63  }
0x98: {  	s28 =	sadd.s32 $0xE510, s23;
	s29 =	sadd.s32 $0x20, s24  }
0x99: {  	[hbm4b:s29+s3] =	stream.linear.scatter [tilespmem:s28], [sflag:$0x3], $0x80, $0x38;
	[tilespmem:$0x16C00] =	vst v63  }
0x9a: {  	s30 =	sadd.s32 $0xE598, s23;
	s31 =	sadd.s32 $0x30, s24  }
0x9b: {  	[hbm4b:s31+s3] =	stream.linear.scatter [tilespmem:s30], [sflag:$0x3], $0x80, $0x38;
	[tilespmem:$0x16C00] =	vst v63  }
0x9c: {  	s28 =	sadd.s32 $0xE620, s23;
	s29 =	sadd.s32 $0x40, s24  }
0x9d: {  	[hbm4b:s29+s3] =	stream.linear.scatter [tilespmem:s28], [sflag:$0x3], $0x80, $0x38;
	[tilespmem:$0x16C00] =	vst v63  }
0x9e: {  	s30 =	sadd.s32 $0xE6A8, s23;
	s31 =	sadd.s32 $0x50, s24  }
0x9f: {  	[hbm4b:s31+s3] =	stream.linear.scatter [tilespmem:s30], [sflag:$0x3], $0x80, $0x38;
	[tilespmem:$0x16C00] =	vst v63  }
0xa0: {  	s28 =	sadd.s32 $0xE730, s23;
	s29 =	sadd.s32 $0x60, s24  }
0xa1: {  	[hbm4b:s29+s3] =	stream.linear.scatter [tilespmem:s28], [sflag:$0x3], $0x80, $0x38;
	[tilespmem:$0x16C00] =	vst v63  }
0xa2: {  	s22 =	sadd.s32 s22, s2;
	s30 =	sadd.s32 $0xE7B8, s23;
	s31 =	sadd.s32 $0x70, s24  }
0xa3: {  	[hbm4b:s31+s3] =	stream.linear.scatter [tilespmem:s30], [sflag:$0x3], $0x80, $0x38;
	[tilespmem:$0x16C00] =	vst v63  }
0xa4: {  	s23 =	sadd.s32 $0x80, s22;
	s24 =	simm.s32 $0x10600  }
0xa5: {  	[hbm4b:s23+s3] =	stream.linear.scatter [tilespmem:s24], [sflag:$0x3], $0x80, $0x38;
	[tilespmem:$0x16C00] =	vst v63  }
0xa6: {  	s25 =	simm.s32 $0x10688;
	s26 =	sadd.s32 $0x10, s23  }
0xa7: {  	[hbm4b:s26+s3] =	stream.linear.scatter [tilespmem:s25], [sflag:$0x3], $0x80, $0x38;
	[tilespmem:$0x16C00] =	vst v63  }
0xa8: {  	s22 =	simm.s32 $0x440;
	s28 =	simm.s32 $0x10710;
	s29 =	sadd.s32 $0x20, s23  }
0xa9: {  	[hbm4b:s29+s3] =	stream.linear.scatter [tilespmem:s28], [sflag:$0x3], $0x80, $0x38;
	[tilespmem:$0x16C00] =	vst v63  }
0xaa: {  	s30 =	simm.s32 $0x10798;
	s31 =	sadd.s32 $0x30, s23;
	s24 =	simm.s32 $0x2200  }
0xab: {  	[hbm4b:s31+s3] =	stream.linear.scatter [tilespmem:s30], [sflag:$0x3], $0x80, $0x38;
	[tilespmem:$0x16C00] =	vst v63  }
0xac: {  	s25 =	simm.s32 $0x10820;
	s26 =	sadd.s32 $0x40, s23;
	s28 =	simm.s32 $0x108A8  }
0xad: {  	[hbm4b:s26+s3] =	stream.linear.scatter [tilespmem:s25], [sflag:$0x3], $0x80, $0x38;
	[tilespmem:$0x16C00] =	vst v63  }
0xae: {  	s29 =	sadd.s32 $0x50, s23;
	s30 =	simm.s32 $0x10930;
	s31 =	sadd.s32 $0x60, s23  }
0xaf: {  	[hbm4b:s29+s3] =	stream.linear.scatter [tilespmem:s28], [sflag:$0x3], $0x80, $0x38;
	[tilespmem:$0x16C00] =	vst v63  }
0xb0: {  	s25 =	simm.s32 $0x109B8;
	s26 =	sadd.s32 $0x70, s23;
	s23 =	sadd.s32 $0x1000, s23  }
0xb1: {  	[hbm4b:s31+s3] =	stream.linear.scatter [tilespmem:s30], [sflag:$0x3], $0x80, $0x38;
	[tilespmem:$0x16C00] =	vst v63  }
.LBB2_7:
0xb2: {  	[hbm4b:s26+s3] =	stream.linear.scatter [tilespmem:s25], [sflag:$0x3], $0x80, $0x38;
	[tilespmem:$0x16C00] =	vst v63  }
0xb3: {  	s25 =	smov.u32 s22;
	s22 =	smov.u32 s24  }
0xb4: {  	s28 =	sadd.s32 $0x1100, s24;
	s22 =	sshra.s32 s22, $0x2;
	s26 =	sadd.s32 $0x10600, s25  }
0xb5: {  	[hbm4b:s23+s3] =	stream.linear.scatter [tilespmem:s26], [sflag:$0x3], $0x80, $0x38;
	[tilespmem:$0x16C00] =	vst v63  }
0xb6: {  	p2 =	sne.s32 s24, $0x7700;
	s24 =	sadd.s32 $0x10688, s25;
	s26 =	sadd.s32 $0x10, s23  }
0xb7: {  	[hbm4b:s26+s3] =	stream.linear.scatter [tilespmem:s24], [sflag:$0x3], $0x80, $0x38;
	[tilespmem:$0x16C00] =	vst v63  }
0xb8: {  	s24 =	sadd.s32 $0x10710, s25;
	s26 =	sadd.s32 $0x20, s23  }
0xb9: {  	[hbm4b:s26+s3] =	stream.linear.scatter [tilespmem:s24], [sflag:$0x3], $0x80, $0x38;
	[tilespmem:$0x16C00] =	vst v63  }
0xba: {  	s24 =	sadd.s32 $0x10798, s25;
	s26 =	sadd.s32 $0x30, s23  }
0xbb: {  	[hbm4b:s26+s3] =	stream.linear.scatter [tilespmem:s24], [sflag:$0x3], $0x80, $0x38;
	[tilespmem:$0x16C00] =	vst v63  }
0xbc: {  	s24 =	sadd.s32 $0x10820, s25;
	s26 =	sadd.s32 $0x40, s23  }
0xbd: {  	[hbm4b:s26+s3] =	stream.linear.scatter [tilespmem:s24], [sflag:$0x3], $0x80, $0x38;
	[tilespmem:$0x16C00] =	vst v63  }
.Ltmp2:
0xbe: {  	s24 =	sadd.s32 $0x108A8, s25;
	s26 =	sadd.s32 $0x50, s23;
	(pc) =	sbr.rel @p2 .LBB2_7-.Ltmp2, $4  }
0xbf: {  	[hbm4b:s26+s3] =	stream.linear.scatter [tilespmem:s24], [sflag:$0x3], $0x80, $0x38;
	[tilespmem:$0x16C00] =	vst v63  }
0xc0: {  	s24 =	sadd.s32 $0x10930, s25;
	s26 =	sadd.s32 $0x60, s23;
	s25 =	sadd.s32 $0x109B8, s25  }
0xc1: {  	[hbm4b:s26+s3] =	stream.linear.scatter [tilespmem:s24], [sflag:$0x3], $0x80, $0x38;
	[tilespmem:$0x16C00] =	vst v63  }
0xc2: {  	s26 =	sadd.s32 $0x70, s23;
	s23 =	sadd.s32 $0x1000, s23;
	s24 =	smov.u32 s28  }
0xc3: {  	[hbm4b:s26+s3] =	stream.linear.scatter [tilespmem:s25], [sflag:$0x3], $0x80, $0x38;
	[tilespmem:$0x16C00] =	vst v63  }
0xc4: {  	s24 =	sadd.s32 $0x10600, s22  }
0xc5: {  	[hbm4b:s23+s3] =	stream.linear.scatter [tilespmem:s24], [sflag:$0x3], $0x80, $0x38;
	[tilespmem:$0x16C00] =	vst v63  }
0xc6: {  	s30 =	sadd.s32 $0x10688, s22;
	s31 =	sadd.s32 $0x10, s23  }
0xc7: {  	[hbm4b:s31+s3] =	stream.linear.scatter [tilespmem:s30], [sflag:$0x3], $0x80, $0x38;
	[tilespmem:$0x16C00] =	vst v63  }
0xc8: {  	s25 =	sadd.s32 $0x10710, s22;
	s26 =	sadd.s32 $0x20, s23  }
0xc9: {  	[hbm4b:s26+s3] =	stream.linear.scatter [tilespmem:s25], [sflag:$0x3], $0x80, $0x38;
	[tilespmem:$0x16C00] =	vst v63  }
0xca: {  	s28 =	sadd.s32 $0x10798, s22;
	s29 =	sadd.s32 $0x30, s23  }
0xcb: {  	[hbm4b:s29+s3] =	stream.linear.scatter [tilespmem:s28], [sflag:$0x3], $0x80, $0x38;
	[tilespmem:$0x16C00] =	vst v63  }
0xcc: {  	s30 =	sadd.s32 $0x10820, s22;
	s31 =	sadd.s32 $0x40, s23  }
0xcd: {  	[hbm4b:s31+s3] =	stream.linear.scatter [tilespmem:s30], [sflag:$0x3], $0x80, $0x38;
	[tilespmem:$0x16C00] =	vst v63  }
0xce: {  	s26 =	sadd.s32 $0x108A8, s22;
	s28 =	sadd.s32 $0x50, s23  }
0xcf: {  	[hbm4b:s28+s3] =	stream.linear.scatter [tilespmem:s26], [sflag:$0x3], $0x80, $0x38;
	[tilespmem:$0x16C00] =	vst v63  }
0xd0: {  	s29 =	sadd.s32 $0x10930, s22;
	s30 =	sadd.s32 $0x60, s23  }
0xd1: {  	[hbm4b:s30+s3] =	stream.linear.scatter [tilespmem:s29], [sflag:$0x3], $0x80, $0x38;
	[tilespmem:$0x16C00] =	vst v63  }
0xd2: {  	s24 =	sadd.s32 $0x70, s23;
	s31 =	sadd.s32 $0x109B8, s22;
	s22 =	simm.s32 @!p0 $0x4  }
0xd3: {  	[hbm4b:s24+s3] =	stream.linear.scatter [tilespmem:s31], [sflag:$0x3], $0x80, $0x38;
	[tilespmem:$0x16C00] =	vst v63  }
0xd4: {  	s25 =	simm.s32 $0x0;
	_ =	swait.ge @!p0 [sflag:s22], $0x2000  }
0xd5: {  	v4 =	vmov s25;
	[sflag:s22] =	ssyncset.done @!p0 $0x0  }
0xd6: {  	v4 =	vmul.u32 $0x2200, v4;
	[sflag:s22] =	ssyncadd.s32 @!p0 $0xFFFFE000  }
0xd7: {  	_ =	swait.ge @!p0 [sflag:s22], $0x2000  }
0xd8: {  	v7 =	vbroadcast v4, $0x0;
	s26 =	simm.s32 $0x0;
	s28 =	simm.s32 $0x3;
	[sflag:s22] =	ssyncset.done @!p0 $0x0  }
0xd9: {  	v4 =	vmov s26;
	v5 =	vmov s28;
	[sflag:s22] =	ssyncadd.s32 @!p0 $0xFFFFE000  }
0xda: {  	v6 =	vadd.s32 v0, v7;
	v9 =	vand.u32 $0x4, v4;
	v11 =	vand.u32 $0x78, v5;
	_ =	swait.ge [sflag:s14], $0x4000  }
0xdb: {  	v12 =	vand.u32 $0x78, v4;
	s29 =	simm.s32 $0x1;
	s30 =	simm.s32 $0x2;
	v16 =	vand.u32 $0x7, v5;
	v4 =	vadd.s32 v11, v6;
	[sflag:s14] =	ssyncset.done $0x0  }
0xdc: {  	s23 =	simm.s32 $0xA480;
	v5 =	vmov s29;
	v8 =	vmov s30;
	v4 =	vor.u32 v16, v4;
	[sflag:s14] =	ssyncadd.s32 $0xFFFFC000  }
0xdd: {  	v19 =	vand.u32 $0x5, v5;
	v17 =	vand.u32 $0x78, v5;
	v5 =	vadd.s32 v12, v6;
	v10 =	vld [tilespmem:s23+$0x40]  }
0xde: {  	v18 =	vand.u32 $0x78, v8;
	v13 =	vadd.s32 v17, v6;
	v15 =	vor.u32 v9, v5;
	v14 =	vld [tilespmem:s23+$0xFFFFFF80]  }
0xdf: {  	v23 =	vand.u32 $0x6, v8;
	v5 =	vadd.s32 v18, v6;
	v8 =	vor.u32 v19, v13;
	v6 =	vld [tilespmem:s23+$0xFFFFFFC0]  }
0xe0: {  	v21 =	vadd.s32 v1, v7;
	v13 =	vor.u32 v23, v5;
	v20 =	vld [tilespmem:s23+$0x0]  }
0xe1: {  	v27 =	vadd.s32 v2, v7;
	v22 =	vadd.s32 v12, v21  }
0xe2: {  	v28 =	vadd.s32 v12, v27;
	[tilespmem:v4+s15+$0x0] =	vst.idx.msk $0xffff, v10;
	v4 =	vadd.s32 v11, v21  }
0xe3: {  	v22 =	vor.u32 v9, v22;
	[tilespmem:v15+s15+$0x0] =	vst.idx.msk $0xffff, v14;
	v24 =	vld [tilespmem:s23+$0x50];
	v4 =	vor.u32 v16, v4  }
0xe4: {  	s25 =	simm.s32 $0x6;
	v29 =	vadd.s32 v17, v27;
	v14 =	vadd.s32 v17, v21;
	[tilespmem:v8+s15+$0x0] =	vst.idx.msk $0xffff, v6;
	v15 =	vld [tilespmem:s23+$0xFFFFFF90]  }
0xe5: {  	v25 =	vmov s25;
	s26 =	simm.s32 $0x0;
	s31 =	simm.s32 $0x4;
	v6 =	vadd.s32 v18, v21;
	[tilespmem:v13+s15+$0x0] =	vst.idx.msk $0xffff, v20;
	v21 =	vld [tilespmem:s23+$0xFFFFFFD0];
	v14 =	vor.u32 v19, v14  }
0xe6: {  	s24 =	simm.s32 $0x5;
	v10 =	vmov s31;
	v13 =	vmov s26;
	v20 =	vor.u32 v23, v6;
	v26 =	vld [tilespmem:s23+$0x10]  }
0xe7: {  	v8 =	vmov s24;
	v5 =	vand.u32 $0x4, v10;
	v13 =	vmul.u32 $0x2200, v13  }
0xe8: {  	v10 =	vand.u32 $0x78, v10;
	v6 =	vand.u32 $0x5, v8;
	[tilespmem:v4+s15+$0x0] =	vst.idx.msk $0xffff, v24;
	v24 =	vadd.s32 v11, v27  }
0xe9: {  	s28 =	simm.s32 $0x7;
	v13 =	vbroadcast v13, $0x0;
	[tilespmem:v22+s15+$0x0] =	vst.idx.msk $0xffff, v15;
	v22 =	vor.u32 v9, v28;
	v30 =	vld [tilespmem:s23+$0x60];
	v24 =	vor.u32 v16, v24  }
0xea: {  	v15 =	vadd.s32 v18, v27;
	[tilespmem:v14+s15+$0x0] =	vst.idx.msk $0xffff, v21;
	v14 =	vmov s28;
	v21 =	vor.u32 v19, v29;
	v27 =	vld [tilespmem:s23+$0xFFFFFFA0]  }
0xeb: {  	[tilespmem:v20+s15+$0x0] =	vst.idx.msk $0xffff, v26;
	v20 =	vadd.s32 v0, v13;
	v29 =	vadd.s32 v3, v7;
	v7 =	vand.u32 $0x78, v25  }
0xec: {  	v31 =	vor.u32 v23, v15;
	v28 =	vld [tilespmem:s23+$0xFFFFFFE0];
	v15 =	vand.u32 $0x78, v14;
	v11 =	vadd.s32 v11, v29  }
0xed: {  	s22 =	simm.s32 $0xA580;
	v32 =	vld [tilespmem:s23+$0x20];
	v14 =	vand.u32 $0x7, v14;
	v26 =	vadd.s32 v15, v20;
	v11 =	vor.u32 v16, v11  }
0xee: {  	v4 =	vand.u32 $0x6, v25;
	v25 =	vld [tilespmem:s22+$0x40];
	v16 =	vadd.s32 v7, v20;
	v26 =	vor.u32 v14, v26;
	[tilespmem:v24+s15+$0x0] =	vst.idx.msk $0xffff, v30  }
0xef: {  	v8 =	vand.u32 $0x78, v8;
	v35 =	vor.u32 v4, v16;
	v24 =	vadd.s32 v10, v20;
	[tilespmem:v22+s15+$0x0] =	vst.idx.msk $0xffff, v27;
	v27 =	vld [tilespmem:s22+$0x0]  }
0xf0: {  	v34 =	vld [tilespmem:s22+$0xFFFFFF80];
	v30 =	vadd.s32 v8, v20;
	v24 =	vor.u32 v5, v24  }
0xf1: {  	v12 =	vadd.s32 v12, v29;
	v20 =	vld [tilespmem:s22+$0xFFFFFFC0];
	[tilespmem:v21+s15+$0x0] =	vst.idx.msk $0xffff, v28;
	v30 =	vor.u32 v6, v30  }
0xf2: {  	v36 =	vadd.s32 v17, v29;
	v37 =	vadd.s32 v18, v29;
	[tilespmem:v31+s15+$0x0] =	vst.idx.msk $0xffff, v32;
	v33 =	vld [tilespmem:s23+$0x70]  }
0xf3: {  	s24 =	simm.s32 $0x8;
	v17 =	vadd.s32 v1, v13;
	v39 =	vor.u32 v9, v12;
	v38 =	vld [tilespmem:s23+$0xFFFFFFB0];
	[tilespmem:v26+s15+$0x0] =	vst.idx.msk $0xffff, v25  }
0xf4: {  	v12 =	vmov s24;
	v18 =	vadd.s32 v10, v17;
	v21 =	vadd.s32 v15, v17;
	v16 =	vld [tilespmem:s23+$0xFFFFFFF0];
	[tilespmem:v35+s15+$0x0] =	vst.idx.msk $0xffff, v27  }
0xf5: {  	s29 =	simm.s32 $0x9;
	s31 =	simm.s32 $0x0;
	v9 =	vand.u32 $0x4, v12;
	v29 =	vor.u32 v5, v18;
	v28 =	vor.u32 v14, v21;
	[tilespmem:v24+s15+$0x0] =	vst.idx.msk $0xffff, v34;
	v24 =	vld [tilespmem:s22+$0x50]  }
0xf6: {  	v18 =	vmov s29;
	v31 =	vmov s31;
	v26 =	vadd.s32 v8, v17;
	[tilespmem:v30+s15+$0x0] =	vst.idx.msk $0xffff, v20;
	v25 =	vld [tilespmem:s22+$0xFFFFFF90]  }
0xf7: {  	s30 =	simm.s32 $0xA;
	v26 =	vor.u32 v6, v26;
	[tilespmem:v11+s15+$0x0] =	vst.idx.msk $0xffff, v33;
	v11 =	vand.u32 $0x78, v12;
	v12 =	vadd.s32 v7, v17;
	v22 =	vld [tilespmem:s22+$0xFFFFFFD0]  }
0xf8: {  	s20 =	sadd.s32 s20, s5;
	v17 =	vmov s30;
	v27 =	vld [tilespmem:s22+$0x10];
	v20 =	vor.u32 v19, v36;
	v21 =	vor.u32 v4, v12  }
0xf9: {  	s20 =	sadd.s32 $0x2, s20;
	s25 =	simm.s32 $0xC;
	v19 =	vor.u32 v23, v37;
	v30 =	vadd.s32 v2, v13;
	[tilespmem:v39+s15+$0x0] =	vst.idx.msk $0xffff, v38;
	v23 =	vld [tilespmem:s23+$0x30];
	s23 =	simm.s32 $0xA580;
	v12 =	vand.u32 $0x5, v18  }
.LBB2_9:
0xfa: {  	p0 =	slt.u32 s25, $0xFC;
	v31 =	vmul.u32 $0x2200, v31;
	v32 =	vadd.s32 v10, v30;
	[tilespmem:v28+s15+$0x0] =	vst.idx.msk $0xffff, v24;
	v24 =	vadd.s32 v15, v30  }
0xfb: {  	v33 =	vand.u32 $0x6, v17;
	[tilespmem:v29+s15+$0x0] =	vst.idx.msk $0xffff, v25;
	v25 =	vadd.s32 v8, v30;
	v28 =	vld [tilespmem:s22+$0x60];
	v24 =	vor.u32 v14, v24  }
0xfc: {  	s26 =	sadd.s32 $0x3, s24;
	s24 =	smov.u32 s25;
	v32 =	vor.u32 v5, v32;
	v29 =	vbroadcast v31, $0x0;
	v31 =	vld [tilespmem:s22+$0xFFFFFFA0];
	[tilespmem:v26+s15+$0x0] =	vst.idx.msk $0xffff, v22;
	v22 =	vadd.s32 v7, v30  }
0xfd: {  	v26 =	vmov s26;
	v25 =	vor.u32 v6, v25;
	v30 =	vld [tilespmem:s22+$0xFFFFFFE0];
	[tilespmem:v21+s15+$0x0] =	vst.idx.msk $0xffff, v27;
	v34 =	vor.u32 v4, v22  }
0xfe: {  	v18 =	vand.u32 $0x78, v18;
	v22 =	vand.u32 $0x78, v26;
	v21 =	vadd.s32 v0, v29;
	v35 =	vld [tilespmem:s22+$0x20];
	[tilespmem:v20+s15+$0x0] =	vst.idx.msk $0xffff, v16  }
0xff: {  	v16 =	vand.u32 $0x7, v26;
	v26 =	vadd.s32 v3, v13;
	s22 =	sadd.s32 $0x100, s22;
	v20 =	vadd.s32 v22, v21;
	[tilespmem:v19+s15+$0x0] =	vst.idx.msk $0xffff, v23  }
0x100: {  	v17 =	vand.u32 $0x78, v17;
	v19 =	vld [tilespmem:s22+$0x40];
	v20 =	vor.u32 v16, v20;
	[tilespmem:v24+s15+$0x0] =	vst.idx.msk $0xffff, v28;
	v28 =	vadd.s32 v15, v26  }
0x101: {  	v13 =	vmovc v29;
	v36 =	vadd.s32 v11, v21;
	v23 =	vadd.s32 v18, v21;
	v24 =	vld [tilespmem:s23+$0x70];
	v27 =	vor.u32 v14, v28  }
0x102: {  	v37 =	vadd.s32 v17, v21;
	v29 =	vor.u32 v9, v36;
	v23 =	vor.u32 v12, v23;
	v15 =	vmovc v22;
	v28 =	vld [tilespmem:s22+$0xFFFFFF80]  }
0x103: {  	v10 =	vadd.s32 v10, v26;
	v36 =	vor.u32 v33, v37;
	v14 =	vmov v16;
	v21 =	vld [tilespmem:s22+$0xFFFFFFC0];
	[tilespmem:v32+s15+$0x0] =	vst.idx.msk $0xffff, v31  }
0x104: {  	v32 =	vadd.s32 v7, v26;
	v31 =	vld [tilespmem:s22+$0x0];
	[tilespmem:v25+s15+$0x0] =	vst.idx.msk $0xffff, v30;
	v30 =	vadd.s32 v8, v26;
	v8 =	vmov v18  }
0x105: {  	v38 =	vor.u32 v5, v10;
	v7 =	vmov v17;
	v18 =	vadd.s32 v1, v13;
	[tilespmem:v20+s15+$0x0] =	vst.idx.msk $0xffff, v19;
	v37 =	vld [tilespmem:s23+$0xFFFFFFB0]  }
0x106: {  	v10 =	vmov s25;
	v5 =	vmovc v9;
	v17 =	vadd.s32 v11, v18;
	v19 =	vadd.s32 v15, v18;
	v16 =	vld [tilespmem:s23+$0xFFFFFFF0];
	[tilespmem:v27+s15+$0x0] =	vst.idx.msk $0xffff, v24  }
.Ltmp3:
0x107: {  	v9 =	vand.u32 $0x4, v10;
	v20 =	vadd.s32 v8, v18;
	[tilespmem:v29+s15+$0x0] =	vst.idx.msk $0xffff, v28;
	v24 =	vld [tilespmem:s22+$0x50];
	v28 =	vor.u32 v14, v19;
	(pc) =	sbr.rel @p0 .LBB2_9-.Ltmp3, $4  }
0x108: {  	s26 =	sadd.s32 $0x1, s25;
	v39 =	vand.u32 $0x78, v10;
	v29 =	vor.u32 v5, v17;
	v17 =	vadd.s32 v7, v18;
	v25 =	vld [tilespmem:s22+$0xFFFFFF90];
	[tilespmem:v23+s15+$0x0] =	vst.idx.msk $0xffff, v21  }
0x109: {  	v10 =	vmovc v11;
	v26 =	vor.u32 v12, v20;
	v18 =	vmov s26;
	s26 =	sadd.s32 $0x2, s25;
	v21 =	vor.u32 v33, v17;
	v22 =	vld [tilespmem:s22+$0xFFFFFFD0];
	[tilespmem:v36+s15+$0x0] =	vst.idx.msk $0xffff, v31  }
0x10a: {  	s28 =	sshrl.u32 s25, $0x7;
	v20 =	vor.u32 v6, v30;
	v19 =	vor.u32 v4, v32;
	v4 =	vmovc v33;
	v17 =	vmov s26;
	v27 =	vld [tilespmem:s22+$0x10];
	[tilespmem:v34+s15+$0x0] =	vst.idx.msk $0xffff, v35  }
0x10b: {  	v11 =	vmovc v39;
	v30 =	vadd.s32 v2, v13;
	v6 =	vmovc v12;
	s25 =	sadd.s32 $0x4, s25;
	v12 =	vand.u32 $0x5, v18;
	v31 =	vmov s28;
	[tilespmem:v38+s15+$0x0] =	vst.idx.msk $0xffff, v37;
	v23 =	vld [tilespmem:s23+$0x30];
	s23 =	smov.u32 s22  }
0x10c: {  	_ =	sdelay $0x2  }
0x10d: {  	v31 =	vmul.u32 $0x2200, v31  }
0x10e: {  	v32 =	vadd.s32 v10, v30;
	v33 =	vadd.s32 v15, v30;
	[tilespmem:v28+s15+$0x0] =	vst.idx.msk $0xffff, v24;
	v24 =	vand.u32 $0x6, v17  }
0x10f: {  	v44 =	vadd.s32 v8, v30;
	s24 =	sadd.s32 $0x3, s24;
	v49 =	vadd.s32 v7, v30;
	v31 =	vbroadcast v31, $0x0  }
0x110: {  	v18 =	vand.u32 $0x78, v18;
	[tilespmem:v20+s15+$0x0] =	vst.idx.msk $0xffff, v16;
	v13 =	vadd.s32 v3, v13;
	v47 =	vmov s24  }
0x111: {  	[tilespmem:v29+s15+$0x0] =	vst.idx.msk $0xffff, v25;
	v45 =	vor.u32 v14, v33;
	v48 =	vld [tilespmem:s22+$0x60];
	v30 =	vand.u32 $0x78, v47;
	v50 =	vadd.s32 v0, v31  }
0x112: {  	s31 =	sadd.s32 $0x100, s22;
	v46 =	vor.u32 v5, v32;
	v34 =	vld [tilespmem:s22+$0xFFFFFFA0];
	[tilespmem:v21+s15+$0x0] =	vst.idx.msk $0xffff, v27;
	v21 =	vand.u32 $0x7, v47;
	v51 =	vadd.s32 v30, v50  }
0x113: {  	v28 =	vor.u32 v6, v44;
	v52 =	vld [tilespmem:s31+$0x40];
	v54 =	vadd.s32 v11, v50;
	v53 =	vor.u32 v21, v51  }
0x114: {  	v17 =	vand.u32 $0x78, v17;
	v56 =	vld [tilespmem:s31+$0xFFFFFF80];
	[tilespmem:v26+s15+$0x0] =	vst.idx.msk $0xffff, v22;
	v55 =	vadd.s32 v18, v50;
	v27 =	vor.u32 v9, v54  }
0x115: {  	v57 =	vld [tilespmem:s31+$0xFFFFFFC0];
	[tilespmem:v19+s15+$0x0] =	vst.idx.msk $0xffff, v23;
	v26 =	vadd.s32 v17, v50;
	v19 =	vor.u32 v12, v55  }
0x116: {  	v59 =	vld [tilespmem:s31+$0x0];
	v61 =	vadd.s32 v15, v13;
	[tilespmem:v45+s15+$0x0] =	vst.idx.msk $0xffff, v48;
	v58 =	vor.u32 v24, v26  }
0x117: {  	v41 =	vadd.s32 v10, v13;
	v60 =	vld [tilespmem:s22+$0xFFFFFFE0];
	v62 =	vadd.s32 v1, v31;
	[tilespmem:v46+s15+$0x0] =	vst.idx.msk $0xffff, v34  }
0x118: {  	v22 =	vor.u32 v4, v49;
	v42 =	vld [tilespmem:s22+$0x20];
	v36 =	vadd.s32 v30, v62;
	[tilespmem:v53+s15+$0x0] =	vst.idx.msk $0xffff, v52  }
0x119: {  	v37 =	vadd.s32 v11, v62;
	v15 =	vor.u32 v21, v36;
	[tilespmem:v27+s15+$0x0] =	vst.idx.msk $0xffff, v56;
	v20 =	vld [tilespmem:s31+$0x50]  }
0x11a: {  	v38 =	vadd.s32 v18, v62;
	v16 =	vor.u32 v9, v37;
	[tilespmem:v19+s15+$0x0] =	vst.idx.msk $0xffff, v57;
	v27 =	vld [tilespmem:s31+$0xFFFFFF90]  }
0x11b: {  	v39 =	vadd.s32 v17, v62;
	v23 =	vor.u32 v12, v38;
	[tilespmem:v58+s15+$0x0] =	vst.idx.msk $0xffff, v59;
	v40 =	vld [tilespmem:s31+$0xFFFFFFD0]  }
0x11c: {  	v43 =	vadd.s32 v8, v13;
	[tilespmem:v28+s15+$0x0] =	vst.idx.msk $0xffff, v60;
	v19 =	vor.u32 v24, v39;
	v25 =	vld [tilespmem:s31+$0x10]  }
0x11d: {  	v35 =	vor.u32 v14, v61;
	v44 =	vadd.s32 v2, v31;
	v63 =	vld [tilespmem:s23+$0x70];
	[tilespmem:v22+s15+$0x0] =	vst.idx.msk $0xffff, v42  }
0x11e: {  	v5 =	vor.u32 v5, v41;
	v46 =	vadd.s32 v30, v44;
	v45 =	vld [tilespmem:s23+$0xFFFFFFB0];
	[tilespmem:v15+s15+$0x0] =	vst.idx.msk $0xffff, v20  }
0x11f: {  	v47 =	vadd.s32 v11, v44;
	v10 =	vor.u32 v21, v46;
	[tilespmem:v16+s15+$0x0] =	vst.idx.msk $0xffff, v27;
	v48 =	vld [tilespmem:s31+$0x60]  }
0x120: {  	v49 =	vadd.s32 v18, v44;
	v15 =	vor.u32 v9, v47;
	[tilespmem:v23+s15+$0x0] =	vst.idx.msk $0xffff, v40;
	v27 =	vld [tilespmem:s31+$0xFFFFFFA0]  }
0x121: {  	v14 =	vadd.s32 v17, v44;
	v20 =	vor.u32 v12, v49;
	[tilespmem:v19+s15+$0x0] =	vst.idx.msk $0xffff, v25;
	v23 =	vld [tilespmem:s31+$0xFFFFFFE0]  }
0x122: {  	v50 =	vadd.s32 v7, v13;
	v51 =	vor.u32 v24, v14;
	[tilespmem:v35+s15+$0x0] =	vst.idx.msk $0xffff, v63;
	v52 =	vld [tilespmem:s31+$0x20]  }
0x123: {  	v4 =	vor.u32 v4, v50;
	v55 =	vld [tilespmem:s23+$0x30];
	[tilespmem:v5+s15+$0x0] =	vst.idx.msk $0xffff, v45;
	v5 =	vadd.s32 v3, v31  }
0x124: {  	v54 =	vor.u32 v6, v43;
	v53 =	vld [tilespmem:s23+$0xFFFFFFF0];
	v56 =	vadd.s32 v30, v5;
	[tilespmem:v10+s15+$0x0] =	vst.idx.msk $0xffff, v48  }
0x125: {  	v57 =	vadd.s32 v11, v5;
	v8 =	vor.u32 v21, v56;
	[tilespmem:v15+s15+$0x0] =	vst.idx.msk $0xffff, v27;
	v10 =	vld [tilespmem:s31+$0x70]  }
0x126: {  	v58 =	vadd.s32 v18, v5;
	v60 =	vor.u32 v9, v57;
	[tilespmem:v20+s15+$0x0] =	vst.idx.msk $0xffff, v23;
	v59 =	vld [tilespmem:s31+$0xFFFFFFB0]  }
0x127: {  	v5 =	vadd.s32 v17, v5;
	v62 =	vor.u32 v12, v58;
	[tilespmem:v51+s15+$0x0] =	vst.idx.msk $0xffff, v52;
	v61 =	vld [tilespmem:s31+$0xFFFFFFF0]  }
0x128: {  	v5 =	vor.u32 v24, v5;
	[tilespmem:v4+s15+$0x0] =	vst.idx.msk $0xffff, v55;
	v63 =	vld [tilespmem:s31+$0x30]  }
0x129: {  	[tilespmem:v54+s15+$0x0] =	vst.idx.msk $0xffff, v53  }
0x12a: {  	[tilespmem:v8+s15+$0x0] =	vst.idx.msk $0xffff, v10  }
0x12b: {  	[tilespmem:v60+s15+$0x0] =	vst.idx.msk $0xffff, v59  }
0x12c: {  	s21 =	sadd.s32 @!p1 $0x300, s21;
	s25 =	sshll.u32 s20, $0xA;
	[tilespmem:v62+s15+$0x0] =	vst.idx.msk $0xffff, v61  }
0x12d: {  	s24 =	sshll.u32 s20, $0xD;
	s22 =	simm.s32 @!p1 $0x100;
	s23 =	simm.s32 @!p1 $0xA400;
	[tilespmem:v5+s15+$0x0] =	vst.idx.msk $0xffff, v63  }
0x12e: {  	[tilespmem:s23], [sflag:$0x2] =	stream.indirect.gather @!p1 [hbm4b:s4+s22], $0x40, s21, s22, $0xb8;
	[tilespmem:$0x16C00] =	vst v63  }
0x12f: {  	s20 =	sand.u32 $0x7800, s25;
	s21 =	sand.u32 $0x7FFC0000, s24  }
0x130: {  	s20 =	sor.u32 s20, s21  }
0x131: {  	s20 =	sshrl.u32 s20, $0x3  }
0x132: {  	s26 =	simm.s32 $0x12800;
	s22 =	sadd.s32 s2, s20  }
0x133: {  	[hbm4b:s22+s3] =	stream.linear.scatter [tilespmem:s26], [sflag:$0x4], $0x80, $0x38;
	[tilespmem:$0x16C00] =	vst v63  }
0x134: {  	s28 =	simm.s32 $0x12888;
	s29 =	sadd.s32 $0x10, s22  }
0x135: {  	[hbm4b:s29+s3] =	stream.linear.scatter [tilespmem:s28], [sflag:$0x4], $0x80, $0x38;
	[tilespmem:$0x16C00] =	vst v63  }
0x136: {  	s30 =	simm.s32 $0x12910;
	s25 =	simm.s32 $0x12A20;
	s31 =	sadd.s32 $0x20, s22  }
0x137: {  	[hbm4b:s31+s3] =	stream.linear.scatter [tilespmem:s30], [sflag:$0x4], $0x80, $0x38;
	[tilespmem:$0x16C00] =	vst v63  }
0x138: {  	s23 =	simm.s32 $0x12998;
	s21 =	simm.s32 $0x440;
	s24 =	sadd.s32 $0x30, s22  }
0x139: {  	[hbm4b:s24+s3] =	stream.linear.scatter [tilespmem:s23], [sflag:$0x4], $0x80, $0x38;
	[tilespmem:$0x16C00] =	vst v63  }
0x13a: {  	s26 =	sadd.s32 $0x40, s22;
	s28 =	simm.s32 $0x12AA8;
	s29 =	sadd.s32 $0x50, s22  }
0x13b: {  	[hbm4b:s26+s3] =	stream.linear.scatter [tilespmem:s25], [sflag:$0x4], $0x80, $0x38;
	[tilespmem:$0x16C00] =	vst v63  }
0x13c: {  	s30 =	simm.s32 $0x12B30;
	s31 =	sadd.s32 $0x60, s22;
	s23 =	simm.s32 $0x2200  }
0x13d: {  	[hbm4b:s29+s3] =	stream.linear.scatter [tilespmem:s28], [sflag:$0x4], $0x80, $0x38;
	[tilespmem:$0x16C00] =	vst v63  }
0x13e: {  	s24 =	simm.s32 $0x12BB8;
	s25 =	sadd.s32 $0x70, s22;
	s22 =	sadd.s32 $0x1000, s22  }
0x13f: {  	[hbm4b:s31+s3] =	stream.linear.scatter [tilespmem:s30], [sflag:$0x4], $0x80, $0x38;
	[tilespmem:$0x16C00] =	vst v63  }
.LBB2_11:
0x140: {  	[hbm4b:s25+s3] =	stream.linear.scatter [tilespmem:s24], [sflag:$0x4], $0x80, $0x38;
	[tilespmem:$0x16C00] =	vst v63  }
0x141: {  	s24 =	smov.u32 s21;
	s21 =	smov.u32 s23  }
0x142: {  	s26 =	sadd.s32 $0x1100, s23;
	s21 =	sshra.s32 s21, $0x2;
	s25 =	sadd.s32 $0x12800, s24  }
0x143: {  	[hbm4b:s22+s3] =	stream.linear.scatter [tilespmem:s25], [sflag:$0x4], $0x80, $0x38;
	[tilespmem:$0x16C00] =	vst v63  }
0x144: {  	p0 =	sne.s32 s23, $0x7700;
	s23 =	sadd.s32 $0x12888, s24;
	s25 =	sadd.s32 $0x10, s22  }
0x145: {  	[hbm4b:s25+s3] =	stream.linear.scatter [tilespmem:s23], [sflag:$0x4], $0x80, $0x38;
	[tilespmem:$0x16C00] =	vst v63  }
0x146: {  	s23 =	sadd.s32 $0x12910, s24;
	s25 =	sadd.s32 $0x20, s22  }
0x147: {  	[hbm4b:s25+s3] =	stream.linear.scatter [tilespmem:s23], [sflag:$0x4], $0x80, $0x38;
	[tilespmem:$0x16C00] =	vst v63  }
0x148: {  	s23 =	sadd.s32 $0x12998, s24;
	s25 =	sadd.s32 $0x30, s22  }
0x149: {  	[hbm4b:s25+s3] =	stream.linear.scatter [tilespmem:s23], [sflag:$0x4], $0x80, $0x38;
	[tilespmem:$0x16C00] =	vst v63  }
0x14a: {  	s23 =	sadd.s32 $0x12A20, s24;
	s25 =	sadd.s32 $0x40, s22  }
0x14b: {  	[hbm4b:s25+s3] =	stream.linear.scatter [tilespmem:s23], [sflag:$0x4], $0x80, $0x38;
	[tilespmem:$0x16C00] =	vst v63  }
.Ltmp4:
0x14c: {  	s23 =	sadd.s32 $0x12AA8, s24;
	s25 =	sadd.s32 $0x50, s22;
	(pc) =	sbr.rel @p0 .LBB2_11-.Ltmp4, $4  }
0x14d: {  	[hbm4b:s25+s3] =	stream.linear.scatter [tilespmem:s23], [sflag:$0x4], $0x80, $0x38;
	[tilespmem:$0x16C00] =	vst v63  }
0x14e: {  	s23 =	sadd.s32 $0x12B30, s24;
	s25 =	sadd.s32 $0x60, s22;
	s24 =	sadd.s32 $0x12BB8, s24  }
0x14f: {  	[hbm4b:s25+s3] =	stream.linear.scatter [tilespmem:s23], [sflag:$0x4], $0x80, $0x38;
	[tilespmem:$0x16C00] =	vst v63  }
0x150: {  	s25 =	sadd.s32 $0x70, s22;
	s22 =	sadd.s32 $0x1000, s22;
	s23 =	smov.u32 s26  }
0x151: {  	[hbm4b:s25+s3] =	stream.linear.scatter [tilespmem:s24], [sflag:$0x4], $0x80, $0x38;
	[tilespmem:$0x16C00] =	vst v63  }
0x152: {  	s23 =	sadd.s32 $0x12800, s21  }
0x153: {  	[hbm4b:s22+s3] =	stream.linear.scatter [tilespmem:s23], [sflag:$0x4], $0x80, $0x38;
	[tilespmem:$0x16C00] =	vst v63  }
0x154: {  	s25 =	sadd.s32 $0x12888, s21;
	s26 =	sadd.s32 $0x10, s22  }
0x155: {  	[hbm4b:s26+s3] =	stream.linear.scatter [tilespmem:s25], [sflag:$0x4], $0x80, $0x38;
	[tilespmem:$0x16C00] =	vst v63  }
0x156: {  	s28 =	sadd.s32 $0x12910, s21;
	s29 =	sadd.s32 $0x20, s22  }
0x157: {  	[hbm4b:s29+s3] =	stream.linear.scatter [tilespmem:s28], [sflag:$0x4], $0x80, $0x38;
	[tilespmem:$0x16C00] =	vst v63  }
0x158: {  	s30 =	sadd.s32 $0x12998, s21;
	s31 =	sadd.s32 $0x30, s22  }
0x159: {  	[hbm4b:s31+s3] =	stream.linear.scatter [tilespmem:s30], [sflag:$0x4], $0x80, $0x38;
	[tilespmem:$0x16C00] =	vst v63  }
0x15a: {  	s25 =	sadd.s32 $0x12A20, s21;
	s26 =	sadd.s32 $0x40, s22  }
0x15b: {  	[hbm4b:s26+s3] =	stream.linear.scatter [tilespmem:s25], [sflag:$0x4], $0x80, $0x38;
	[tilespmem:$0x16C00] =	vst v63  }
0x15c: {  	s28 =	sadd.s32 $0x12AA8, s21;
	s29 =	sadd.s32 $0x50, s22  }
0x15d: {  	[hbm4b:s29+s3] =	stream.linear.scatter [tilespmem:s28], [sflag:$0x4], $0x80, $0x38;
	[tilespmem:$0x16C00] =	vst v63  }
0x15e: {  	s30 =	sadd.s32 $0x12B30, s21;
	s31 =	sadd.s32 $0x60, s22  }
0x15f: {  	[hbm4b:s31+s3] =	stream.linear.scatter [tilespmem:s30], [sflag:$0x4], $0x80, $0x38;
	[tilespmem:$0x16C00] =	vst v63  }
0x160: {  	s24 =	sadd.s32 $0x12BB8, s21;
	s20 =	sadd.s32 s20, s2;
	s25 =	sadd.s32 $0x70, s22  }
0x161: {  	[hbm4b:s25+s3] =	stream.linear.scatter [tilespmem:s24], [sflag:$0x4], $0x80, $0x38;
	[tilespmem:$0x16C00] =	vst v63  }
0x162: {  	s21 =	sadd.s32 $0x80, s20;
	s26 =	simm.s32 $0x14A00  }
0x163: {  	[hbm4b:s21+s3] =	stream.linear.scatter [tilespmem:s26], [sflag:$0x4], $0x80, $0x38;
	[tilespmem:$0x16C00] =	vst v63  }
0x164: {  	s28 =	simm.s32 $0x14A88;
	s29 =	sadd.s32 $0x10, s21  }
0x165: {  	[hbm4b:s29+s3] =	stream.linear.scatter [tilespmem:s28], [sflag:$0x4], $0x80, $0x38;
	[tilespmem:$0x16C00] =	vst v63  }
0x166: {  	s23 =	simm.s32 $0x14B98;
	s30 =	simm.s32 $0x14B10;
	s31 =	sadd.s32 $0x20, s21  }
0x167: {  	[hbm4b:s31+s3] =	stream.linear.scatter [tilespmem:s30], [sflag:$0x4], $0x80, $0x38;
	[tilespmem:$0x16C00] =	vst v63  }
0x168: {  	s20 =	simm.s32 $0x440;
	s22 =	simm.s32 $0x2200;
	s24 =	sadd.s32 $0x30, s21  }
0x169: {  	[hbm4b:s24+s3] =	stream.linear.scatter [tilespmem:s23], [sflag:$0x4], $0x80, $0x38;
	[tilespmem:$0x16C00] =	vst v63  }
0x16a: {  	s25 =	simm.s32 $0x14C20;
	s26 =	sadd.s32 $0x40, s21;
	s28 =	simm.s32 $0x14CA8  }
0x16b: {  	[hbm4b:s26+s3] =	stream.linear.scatter [tilespmem:s25], [sflag:$0x4], $0x80, $0x38;
	[tilespmem:$0x16C00] =	vst v63  }
0x16c: {  	s29 =	sadd.s32 $0x50, s21;
	s30 =	simm.s32 $0x14D30;
	s31 =	sadd.s32 $0x60, s21  }
0x16d: {  	[hbm4b:s29+s3] =	stream.linear.scatter [tilespmem:s28], [sflag:$0x4], $0x80, $0x38;
	[tilespmem:$0x16C00] =	vst v63  }
0x16e: {  	s23 =	simm.s32 $0x14DB8;
	s24 =	sadd.s32 $0x70, s21;
	s21 =	sadd.s32 $0x1000, s21  }
0x16f: {  	[hbm4b:s31+s3] =	stream.linear.scatter [tilespmem:s30], [sflag:$0x4], $0x80, $0x38;
	[tilespmem:$0x16C00] =	vst v63  }
.LBB2_13:
0x170: {  	[hbm4b:s24+s3] =	stream.linear.scatter [tilespmem:s23], [sflag:$0x4], $0x80, $0x38;
	[tilespmem:$0x16C00] =	vst v63  }
0x171: {  	s23 =	smov.u32 s20;
	s20 =	smov.u32 s22  }
0x172: {  	s25 =	sadd.s32 $0x1100, s22;
	s20 =	sshra.s32 s20, $0x2;
	s24 =	sadd.s32 $0x14A00, s23  }
0x173: {  	[hbm4b:s21+s3] =	stream.linear.scatter [tilespmem:s24], [sflag:$0x4], $0x80, $0x38;
	[tilespmem:$0x16C00] =	vst v63  }
0x174: {  	p0 =	sne.s32 s22, $0x7700;
	s22 =	sadd.s32 $0x14A88, s23;
	s24 =	sadd.s32 $0x10, s21  }
0x175: {  	[hbm4b:s24+s3] =	stream.linear.scatter [tilespmem:s22], [sflag:$0x4], $0x80, $0x38;
	[tilespmem:$0x16C00] =	vst v63  }
0x176: {  	s22 =	sadd.s32 $0x14B10, s23;
	s24 =	sadd.s32 $0x20, s21  }
0x177: {  	[hbm4b:s24+s3] =	stream.linear.scatter [tilespmem:s22], [sflag:$0x4], $0x80, $0x38;
	[tilespmem:$0x16C00] =	vst v63  }
0x178: {  	s22 =	sadd.s32 $0x14B98, s23;
	s24 =	sadd.s32 $0x30, s21  }
0x179: {  	[hbm4b:s24+s3] =	stream.linear.scatter [tilespmem:s22], [sflag:$0x4], $0x80, $0x38;
	[tilespmem:$0x16C00] =	vst v63  }
0x17a: {  	s22 =	sadd.s32 $0x14C20, s23;
	s24 =	sadd.s32 $0x40, s21  }
0x17b: {  	[hbm4b:s24+s3] =	stream.linear.scatter [tilespmem:s22], [sflag:$0x4], $0x80, $0x38;
	[tilespmem:$0x16C00] =	vst v63  }
.Ltmp5:
0x17c: {  	s22 =	sadd.s32 $0x14CA8, s23;
	s24 =	sadd.s32 $0x50, s21;
	(pc) =	sbr.rel @p0 .LBB2_13-.Ltmp5, $4  }
0x17d: {  	[hbm4b:s24+s3] =	stream.linear.scatter [tilespmem:s22], [sflag:$0x4], $0x80, $0x38;
	[tilespmem:$0x16C00] =	vst v63  }
0x17e: {  	s22 =	sadd.s32 $0x14D30, s23;
	s24 =	sadd.s32 $0x60, s21;
	s23 =	sadd.s32 $0x14DB8, s23  }
0x17f: {  	[hbm4b:s24+s3] =	stream.linear.scatter [tilespmem:s22], [sflag:$0x4], $0x80, $0x38;
	[tilespmem:$0x16C00] =	vst v63  }
0x180: {  	s24 =	sadd.s32 $0x70, s21;
	s21 =	sadd.s32 $0x1000, s21;
	s22 =	smov.u32 s25  }
0x181: {  	[hbm4b:s24+s3] =	stream.linear.scatter [tilespmem:s23], [sflag:$0x4], $0x80, $0x38;
	[tilespmem:$0x16C00] =	vst v63  }
0x182: {  	s22 =	sadd.s32 $0x14A00, s20  }
0x183: {  	[hbm4b:s21+s3] =	stream.linear.scatter [tilespmem:s22], [sflag:$0x4], $0x80, $0x38;
	[tilespmem:$0x16C00] =	vst v63  }
0x184: {  	s25 =	sadd.s32 $0x14A88, s20;
	s26 =	sadd.s32 $0x10, s21  }
0x185: {  	[hbm4b:s26+s3] =	stream.linear.scatter [tilespmem:s25], [sflag:$0x4], $0x80, $0x38;
	[tilespmem:$0x16C00] =	vst v63  }
0x186: {  	s28 =	sadd.s32 $0x14B10, s20;
	s29 =	sadd.s32 $0x20, s21  }
0x187: {  	[hbm4b:s29+s3] =	stream.linear.scatter [tilespmem:s28], [sflag:$0x4], $0x80, $0x38;
	[tilespmem:$0x16C00] =	vst v63  }
0x188: {  	s30 =	sadd.s32 $0x14B98, s20;
	s31 =	sadd.s32 $0x30, s21  }
0x189: {  	[hbm4b:s31+s3] =	stream.linear.scatter [tilespmem:s30], [sflag:$0x4], $0x80, $0x38;
	[tilespmem:$0x16C00] =	vst v63  }
0x18a: {  	s23 =	sadd.s32 $0x14C20, s20;
	s24 =	sadd.s32 $0x40, s21;
	s19 =	sadd.s32 $0x1, s19  }
0x18b: {  	[hbm4b:s24+s3] =	stream.linear.scatter [tilespmem:s23], [sflag:$0x4], $0x80, $0x38;
	[tilespmem:$0x16C00] =	vst v63  }
0x18c: {  	p0 =	sne.s32 s19, $0x32;
	s25 =	sadd.s32 $0x14CA8, s20;
	s26 =	sadd.s32 $0x50, s21  }
0x18d: {  	[hbm4b:s26+s3] =	stream.linear.scatter [tilespmem:s25], [sflag:$0x4], $0x80, $0x38;
	[tilespmem:$0x16C00] =	vst v63  }
.Ltmp6:
0x18e: {  	_ = 	snop;
	(pc) =	sbr.rel @p0 .LBB2_2-.Ltmp6, $4  }
0x18f: {  	s28 =	sadd.s32 $0x14D30, s20;
	s29 =	sadd.s32 $0x60, s21  }
0x190: {  	[hbm4b:s29+s3] =	stream.linear.scatter [tilespmem:s28], [sflag:$0x4], $0x80, $0x38;
	[tilespmem:$0x16C00] =	vst v63  }
0x191: {  	s30 =	sadd.s32 $0x14DB8, s20;
	s31 =	sadd.s32 $0x70, s21  }
0x192: {  	[hbm4b:s31+s3] =	stream.linear.scatter [tilespmem:s30], [sflag:$0x4], $0x80, $0x38;
	[tilespmem:$0x16C00] =	vst v63  }
0x193: {  	_ =	swait.ge [sflag:s16], $0x2000  }
0x194: {  	[sflag:s16] =	ssyncset.done $0x0  }
0x195: {  	[sflag:s16] =	ssyncadd.s32 $0xFFFFE000  }
0x196: {  	_ =	swait.ge [sflag:s16], $0x2000  }
0x197: {  	[sflag:s16] =	ssyncset.done $0x0  }
0x198: {  	s18 =	sadd.s32 $0x1, s18;
	[sflag:s16] =	ssyncadd.s32 $0xFFFFE000  }
0x199: {  	p0 =	sne.s32 s18, s7;
	_ =	swait.ge [sflag:s17], $0x2000  }
.Ltmp7:
0x19a: {  	[sflag:s17] =	ssyncset.done $0x0;
	(pc) =	sbr.rel @p0 .LBB2_1-.Ltmp7, $4  }
0x19b: {  	[sflag:s17] =	ssyncadd.s32 $0xFFFFE000  }
0x19c: {  	_ =	swait.ge [sflag:s17], $0x2000  }
0x19d: {  	[sflag:s17] =	ssyncset.done $0x0  }
0x19e: {  	[sflag:s17] =	ssyncadd.s32 $0xFFFFE000  }
0x19f: {  	_ =	sfence.sel $0x180000  }
0x1a0: {  	[bflag:$0x0] =	sbarrier.arrive $0xFFFF  }
0x1a1: {  	p0 =	sne.s32 s0, $0x0;
	_ =	strace $0x9000004A  }
0x1a2: {  	s0 =	sadd.s32 @!p0 $0x100000, s1;
	[bflag:$0x2] =	sbarrier.arrive $0xFFFF  }
0x1a3: {  	[sflag:s0] =	ssyncadd.tile.s32 @!p0 $0x1;
	_ =	shalt  }
.Lfunc_end2:
_tile_overlayer_lowered:
.L_overlay_start_2:
0x1a4: {  	(tag) =	ssettag $0x2  }
0x1a5: {  	s0 =	rddreg [dreg:$0x0];
	s2 =	stileid.u32  }
0x1a6: {  	s1 =	rddreg [dreg:$0x1];
	p0 =	sne.s32 s2, $0x0  }
0x1a7: {  	s3 =	rddreg [dreg:$0x2];
	[bflag:$0x3] =	sbarrier.arrive $0xFFFF;
	s2 =	simm.s32 @!p0 $0x1C05  }
0x1a8: {  	[timem:s3], [sflag:s2] =	dma.local @!p0 [hbm:s0], s1  }
0x1a9: {  	s0 =	simm.s32 @!p0 $0x5  }
0x1aa: {  	_ =	swait.ge @!p0 [sflag:s0], s1  }
0x1ab: {  	s1 =	ssub.s32 @!p0 $0x0, s1;
	[sflag:s0] =	ssyncset.done @!p0 $0x0  }
0x1ac: {  	[sflag:s0] =	ssyncadd.s32 @!p0 s1  }
0x1ad: {  	[bflag:$0x3] =	sbarrier.arrive $0xFFFF  }
0x1ae: {  	_ =	shalt  }

// kernel: sparse-core-data-format-call.cloned.1.call-start
scs
called_computation_lowered:
.L_overlay_start_0:
0x0: {  	s2 =	sld [smem:$0x3FD9]  }
0x1: {  	s3 =	sld [smem:$0x3FFE];
	_ =	sdelay $0x1  }
0x2: {  	s1 =	srdreg.scid  }
0x3: {  	s0 =	sand.u32 $0x1, s1  }
0x4: {  	s18 =	sshll.u32 s0, $0xA;
	s2 =	sadd.s32 s3, s2  }
0x5: {  	s2 =	sadd.s32 s2, s18  }
0x6: {  	[smem:$0x3FC6] =	sst s2  }
0x7: {  	_ = 	snop  }
0x8: {  	s2 =	sld [smem:$0x3FC8];
	(tm) =	ssettm $0x1  }
0x9: {  	s19 =	sld [smem:$0x3FFB];
	_ =	sdelay $0x3  }
0xa: {  	_ =	strace s19  }
0xb: {  	s3 =	sld [smem:$0x3FFC];
	_ =	sdelay $0x3  }
0xc: {  	_ =	strace s3  }
0xd: {  	s3 =	sld [smem:$0x3FFD];
	_ =	sdelay $0x3  }
0xe: {  	_ =	strace s3  }
0xf: {  	_ =	strace $0x8FFFFFFF  }
0x10: {  	s20 =	sld [smem:$0x3FDB];
	_ =	sdelay $0x1  }
0x11: {  	s4 =	simm.s32 $_scs_section_size  }
0x12: {  	s5 =	simm.s32 $_size__tile_overlayer_lowered;
	s6 =	simm.s32 $_tile_overlayer_lowered  }
0x13: {  	s23 =	simm.s32 $0x1BFF;
	s22 =	sshll.u32 s6, $0x1;
	s3 =	sadd.s32 s4, s20  }
0x14: {  	s7 =	simm.s32 $0x0;
	s21 =	sshll.u32 s5, $0x1;
	s5 =	sadd.s32 s22, s3  }
0x15: {  	[timem:s7], [sflag:s23] =	dma.local [hbm:s5], s21  }
0x16: {  	_ =	swait.ge [sflag:s23], s21  }
0x17: {  	s4 =	ssub.s32 $0x0, s21;
	[sflag:s23] =	ssyncset.done $0x0  }
0x18: {  	[sflag:s23] =	ssyncadd.s32 s4;
	_ =	sdelay $0x1  }
0x19: {  	s24 =	simm.s32 $0x1B8B  }
0x1a: {  	_ =	swait.ge [sflag:s24], $0x1  }
0x1b: {  	[sflag:s24] =	ssyncset.done $0x0  }
0x1c: {  	s26 =	simm.s32 $0x1B8E;
	s25 =	sld [smem:$0x3FFE];
	[sflag:s24] =	ssyncadd.s32 $0xFFFFFFFF  }
0x1d: {  	s27 =	simm.s32 $execute0_lowered;
	[smem:$0x3FD2] =	sst s26  }
0x1e: {  	s5 =	sshll.u32 s27, $0x1;
	_ =	strace $0x80000046;
	[dreg:$0x1] =	wrdreg $0xFFFFFFFF  }
0x1f: {  	s28 =	simm.s32 $_size_execute0_lowered;
	s3 =	sadd.s32 s3, s5;
	[dreg:$0x0] =	wrdreg $0x0  }
0x20: {  	s5 =	sshll.u32 s28, $0x1;
	[dreg:$0x2] =	wrdreg s3  }
0x21: {  	[dreg:$0x3] =	wrdreg s5  }
0x22: {  	[dreg:$0x4] =	wrdreg $0xC0  }
0x23: {  	_ =	task [dreg:s7], $0x5FFFF  }
0x24: {  	[dreg:$0x1] =	wrdreg $0xFFFFFFFF  }
0x25: {  	[dreg:$0x0] =	wrdreg $0x60  }
0x26: {  	[dreg:$0x2] =	wrdreg s2  }
0x27: {  	[dreg:$0x3] =	wrdreg s25  }
0x28: {  	[dreg:$0x4] =	wrdreg $0x9  }
0x29: {  	_ =	task.clear_ibuf [dreg:s7], $0x5FFFF;
	_ =	strace $0x90000046  }
0x2a: {  	s29 =	simm.s32 $0x9;
	_ =	strace $0x80000048  }
0x2b: {  	_ =	swait.ge [sflag:s29], $0x1  }
0x2c: {  	[sflag:s29] =	ssyncadd.s32 $0xFFFFFFFF  }
0x2d: {  	_ =	strace $0x90000048  }
0x2e: {  	_ =	sfence  }
0x2f: {  	s30 =	sld [smem:$0x0];
	_ =	sdelay $0x2  }
0x30: {  	s31 =	sshll.u32 s1, $0xD;
	s1 =	sshrl.u32 s1, $0x2  }
0x31: {  	s3 =	sand.u32 $0x4000, s31;
	s1 =	sadd.s32 s1, s30  }
0x32: {  	s0 =	sor.u32 s3, s0;
	s1 =	sshll.u32 s1, $0x11  }
0x33: {  	s0 =	sor.u32 s1, s0  }
0x34: {  	s0 =	sadd.s32 $0x8F2B, s0  }
0x35: {  	[sflag:s0] =	ssyncadd.remote.s32 $0x1  }
0x36: {  	_ =	sfence.sel $0xFFFF  }
0x37: {  	[dreg:$0x0] =	wrdreg $0xFFFFFFFF;
	(pc) =	sbr.abs _section_cstart, $3  }
0x38: {  	[dreg:$0x1] =	wrdreg $0xFFFFFFFF  }
0x39: {  	_ =	task.clear_ibuf [dreg:s7], $0x2FFFF;
	_ =	strace $0x9FFFFFFF  }
0x3a: {  	(tm) =	ssettm $0x7FFFFFFF  }
0x3b: {  	_ =	shalt  }
tec
execute0_lowered:
.L_overlay_start_1:
0x0: {  	(tag) =	ssettag $0x1  }
0x1: {  	s0 =	srdreg.scid;
	s2 =	rddreg [dreg:$0x0]  }
0x2: {  	s5 =	rddreg [dreg:$0x1];
	s1 =	stileid.u32  }
0x3: {  	s4 =	simm.s32 $0x1;
	s6 =	simm.s32 $0x2;
	s15 =	simm.s32 $0x0  }
0x4: {  	p0 =	por $0x0, $0x0;
	s8 =	simm.s32 $0x80;
	s0 =	sshll.u32 s0, $0x4  }
0x5: {  	s14 =	simm.s32 $0x0;
	s9 =	simm.s32 $0x0;
	s3 =	sand.u32 $0x10, s0  }
.Ltmp0:
0x6: {  	s10 =	simm.s32 $0x0;
	s3 =	sor.u32 s1, s3;
	(pc) =	sbr.rel .LBB1_1-.Ltmp0, $4  }
0x7: {  	s0 =	rddreg [dreg:$0x2];
	_ =	strace $0x80000047;
	s3 =	sshll.u32 s3, $0x7  }
0x8: {  	s12 =	simm.s32 $0x0;
	[sflag:s4] =	ssyncpa.u1 $0x0;
	s7 =	ssub.s32 $0xF4200, s3  }
0x9: {  	s13 =	simm.s32 $0x0;
	[sflag:s6] =	ssyncpa.u1 $0x0;
	s6 =	sshrl.u32 s7, $0xC  }
0xa: {  	s5 =	sadd.s32 $0xA00, s5;
	s11 =	smov.u32 s3;
	s7 =	sadd.s32 $0x2, s6  }
.LBB1_5:
0xb: {  	p1 =	slt.u32 s13, $0x2  }
0xc: {  	s17 =	smov.u32 s15;
	p2 =	sgt.s32 @!p1 s15, $0xF41C0;
	s16 =	sshra.s32 @!p1 s15, $0x1F  }
0xd: {  	p3 =	sgt.s32 @!p1 s14, $0x40;
	s18 =	sshra.s32 @!p1 s14, $0x1F;
	p2 =	por !p2, p1  }
0xe: {  	s15 =	sand.u32 @!p1 s16, s15;
	p3 =	por !p3, p1;
	s16 =	smov.u32 s14  }
0xf: {  	s14 =	sand.u32 @!p1 s18, s14;
	s17 =	simm.s32 @p2 $0xF41C0;
	s16 =	simm.s32 @p3 $0x40  }
0x10: {  	s15 =	ssub.s32 @!p1 s17, s15;
	s14 =	ssub.s32 @!p1 s16, s14  }
0x11: {  	s18 =	smov.u32 s12;
	s16 =	sadd.s32 @!p1 $0xFFF0BE40, s15;
	s17 =	sadd.s32 @!p1 $0xFFFFFFC0, s14  }
0x12: {  	s15 =	ssub.s32 @!p1 $0xF4240, s15;
	p2 =	sgt.s32 @!p1 s16, $0x7F;
	p3 =	sgt.s32 @!p1 s17, $0x3F  }
0x13: {  	s14 =	ssub.s32 @!p1 $0x80, s14;
	p2 =	por !p2, p1;
	p3 =	por !p3, p1  }
0x14: {  	s16 =	sadd.s32 $0x1000, s11;
	s15 =	simm.s32 @!p2 $0x0;
	s14 =	simm.s32 @!p3 $0x0  }
0x15: {  	p2 =	sgt.s32 s16, $0xF423F;
	s14 =	smul.u32 @!p1 s14, s15;
	s15 =	sadd.s32 $0x40, s12  }
0x16: {  	s18 =	smov.u32 @p2 s15  }
0x17: {  	s16 =	smov.u32 @p2 s3;
	p2 =	sgt.s32 s18, $0x3F  }
0x18: {  	s18 =	simm.s32 @p2 $0x0;
	p2 =	sne.s32 s13, s7  }
.Ltmp1:
0x19: {  	p0 =	por !p0, !p0;
	s17 =	simm.s32 @!p1 $0x2;
	(pc) =	sbr.rel @!p2 .LBB1_6-.Ltmp1, $4  }
0x1a: {  	s15 =	smov.u32 s9;
	s9 =	smov.u32 s11;
	s14 =	sand.u32 @!p1 $0x3FFFFFFF, s14  }
0x1b: {  	s11 =	smov.u32 s16;
	_ =	swait.ge @!p1 [sflag:s17], s14;
	s19 =	ssub.s32 @!p1 $0x0, s14  }
0x1c: {  	s14 =	smov.u32 s10;
	s13 =	sadd.s32 $0x1, s13;
	[sflag:s17] =	ssyncset.done @!p1 $0x0  }
0x1d: {  	s10 =	smov.u32 s12;
	s12 =	smov.u32 s18;
	[sflag:s17] =	ssyncadd.s32 @!p1 s19  }
.LBB1_1:
0x1e: {  	p1 =	sgt.u32 s13, s6  }
0x1f: {  	s16 =	sshrl.u32 @!p1 s12, $0x3  }
0x20: {  	s17 =	sshll.u32 @!p1 s11, $0x3;
	s16 =	smul.u32 @!p1 $0x7A1400, s16  }
0x21: {  	s18 =	sshll.u32 @!p1 s12, $0x7;
	s17 =	sand.u32 @!p1 $0xFFFFFC00, s17  }
0x22: {  	s16 =	sadd.s32 @!p1 s16, s17;
	s17 =	sand.u32 @!p1 $0x380, s18  }
0x23: {  	s18 =	sand.u32 @!p1 $0x7F, s11;
	s16 =	sor.u32 @!p1 s17, s16  }
0x24: {  	s17 =	sor.u32 @!p1 s18, s16  }
0x25: {  	s18 =	smulhi.u32 @!p1 $0x218D6287, s17;
	_ =	sdelay $0x1  }
0x26: {  	s16 =	smulhi.u32 @!p1 $0x218D6287, s16;
	s18 =	sshrl.u32 @!p1 s18, $0x11  }
0x27: {  	s18 =	smul.u32 @!p1 $0xF4280, s18  }
0x28: {  	s19 =	sxor.u32 @!p1 $0xFFFFFFFF, s13;
	s16 =	sshrl.u32 @!p1 s16, $0x11  }
0x29: {  	s19 =	sshll.u32 @!p1 s19, $0xD;
	s16 =	sand.u32 @!p1 $0x3F, s16;
	s17 =	ssub.s32 @!p1 s17, s18  }
0x2a: {  	s16 =	smul.u32 @!p1 $0x1E850, s16;
	s18 =	sshrl.u32 @!p1 s17, $0x3;
	s17 =	sand.u32 @!p1 $0x7, s17  }
0x2b: {  	s19 =	sand.u32 @!p1 $0x2000, s19;
	s18 =	sadd.s32 @!p1 s2, s18;
	s17 =	sshll.u32 @!p1 s17, $0x12  }
0x2c: {  	s16 =	sadd.s32 @!p1 s16, s18;
	s17 =	sor.u32 @!p1 $0x400, s17;
	s18 =	simm.s32 @!p1 $0x7A1400  }
0x2d: {  	[tilespmem:s19], [sflag:$0x1] =	stream.strided.gather @!p1 [hbm4b:s16+s17], $0x2000, s18, s17, $0x38;
	[tilespmem:$0x8100] =	vst v63  }
0x2e: {  	p1 =	seq.s32 s13, $0x0  }
0x2f: {  	p2 =	sge.u32 @!p1 s13, s7  }
0x30: {  	p1 =	por p1, p2  }
.Ltmp2:
0x31: {  	_ = 	snop;
	(pc) =	sbr.rel @p1 .LBB1_5-.Ltmp2, $1  }
0x32: {  	_ =	sdelay $0x3  }
0x33: {  	s16 =	simm.s32 $0x1  }
0x34: {  	_ =	swait.ge [sflag:s4], $0x2000;
	s16 =	simm.s32 @!p0 $0x0  }
0x35: {  	[sflag:s4] =	ssyncset.done $0x0;
	s17 =	sshll.u32 s16, $0xD  }
0x36: {  	[sflag:s4] =	ssyncadd.s32 $0xFFFFE000;
	s17 =	sor.u32 $0x40, s17  }
0x37: {  	s16 =	smul.u32 $0x8200, s16;
	v0 =	vld [tilespmem:s17+$0x30]  }
0x38: {  	v1 =	vld [tilespmem:s17+$0xFFFFFFD0]  }
0x39: {  	s16 =	sshrl.u32 s16, $0x2;
	v5 =	vld [tilespmem:s17+$0xFFFFFFE0]  }
0x3a: {  	v6 =	vld [tilespmem:s17+$0xFFFFFFF0];
	s19 =	sor.u32 $0x4000, s16  }
0x3b: {  	s31 =	sand.u32 $0x1, s13;
	v4 =	vld [tilespmem:s17+$0x0];
	s18 =	sadd.s32 $0x0, s19  }
0x3c: {  	v3 =	vld [tilespmem:s17+$0x10];
	s16 =	smul.u32 $0x8200, s31;
	[tilespmem:s18+$0x1C70 ss:$0x41] =	vst.msk $0xffff, v0  }
0x3d: {  	v2 =	vld [tilespmem:s17+$0x20];
	[tilespmem:s18+$0x410 ss:$0x41] =	vst.msk $0xffff, v1  }
0x3e: {  	s16 =	sshrl.u32 s16, $0x2;
	v1 =	vld [tilespmem:s17+$0xFFFFFFC0];
	[tilespmem:s18+$0x820 ss:$0x41] =	vst.msk $0xffff, v5;
	s17 =	sadd.s32 $0x80, s17  }
0x3f: {  	s20 =	simm.s32 $0x4;
	s21 =	simm.s32 $0x8;
	s16 =	sor.u32 $0x4000, s16;
	[tilespmem:s18+$0xC30 ss:$0x41] =	vst.msk $0xffff, v6;
	v0 =	vld [tilespmem:s17+$0x30]  }
.LBB1_3:
0x40: {  	p1 =	sne.s32 s21, $0xFC;
	v5 =	vld [tilespmem:s17+$0xFFFFFFD0];
	[tilespmem:s18+$0x1040 ss:$0x41] =	vst.msk $0xffff, v4  }
0x41: {  	v6 =	vld [tilespmem:s17+$0xFFFFFFE0];
	[tilespmem:s18+$0x1450 ss:$0x41] =	vst.msk $0xffff, v3  }
0x42: {  	s22 =	sshra.s32 s20, $0x2;
	s20 =	smov.u32 s21;
	v7 =	vld [tilespmem:s17+$0xFFFFFFF0];
	[tilespmem:s18+$0x1860 ss:$0x41] =	vst.msk $0xffff, v2  }
.Ltmp3:
0x43: {  	v4 =	vld [tilespmem:s17+$0x0];
	[tilespmem:s18+$0x0 ss:$0x41] =	vst.msk $0xffff, v1;
	s18 =	sadd.s32 s22, s19;
	(pc) =	sbr.rel @p1 .LBB1_3-.Ltmp3, $4  }
0x44: {  	v3 =	vld [tilespmem:s17+$0x10];
	[tilespmem:s18+$0x1C70 ss:$0x41] =	vst.msk $0xffff, v0  }
0x45: {  	[tilespmem:s18+$0x410 ss:$0x41] =	vst.msk $0xffff, v5;
	v2 =	vld [tilespmem:s17+$0x20]  }
0x46: {  	v1 =	vld [tilespmem:s17+$0xFFFFFFC0];
	[tilespmem:s18+$0x820 ss:$0x41] =	vst.msk $0xffff, v6;
	s17 =	sadd.s32 $0x80, s17  }
0x47: {  	s21 =	sadd.s32 $0x4, s21;
	v0 =	vld [tilespmem:s17+$0x30];
	[tilespmem:s18+$0xC30 ss:$0x41] =	vst.msk $0xffff, v7  }
0x48: {  	s21 =	sshll.u32 s9, $0x7;
	s22 =	sshll.u32 s10, $0x3;
	s20 =	sshra.s32 s20, $0x2  }
0x49: {  	p1 =	sgt.s32 s9, $0xF41C0;
	s30 =	sshra.s32 s9, $0x1F;
	s25 =	sshra.s32 s10, $0x1F  }
0x4a: {  	v5 =	vld [tilespmem:s17+$0xFFFFFFD0];
	s28 =	sshrl.u32 s10, $0x3;
	s23 =	sand.u32 $0xFFFFFC00, s21;
	s22 =	sand.u32 $0xFFFFFC00, s22  }
0x4b: {  	[tilespmem:s18+$0x1040 ss:$0x41] =	vst.msk $0xffff, v4;
	v58 =	vld [tilespmem:s17+$0xFFFFFFE0];
	s21 =	sand.u32 $0x380, s21;
	s19 =	sadd.s32 s20, s19;
	s22 =	sadd.s32 s22, s23  }
0x4c: {  	v59 =	vld [tilespmem:s17+$0xFFFFFFF0];
	[tilespmem:s18+$0x1450 ss:$0x41] =	vst.msk $0xffff, v3;
	s29 =	sor.u32 s21, s22;
	s21 =	smov.u32 s9;
	s22 =	sand.u32 s30, s9  }
0x4d: {  	v60 =	vld [tilespmem:s17+$0x0];
	[tilespmem:s18+$0x1860 ss:$0x41] =	vst.msk $0xffff, v2;
	s30 =	sand.u32 $0x7, s10;
	s20 =	sshrl.u32 s29, $0x7;
	s21 =	simm.s32 @!p1 $0xF41C0  }
0x4e: {  	v61 =	vld [tilespmem:s17+$0x10];
	[tilespmem:s18+$0x0 ss:$0x41] =	vst.msk $0xffff, v1;
	p1 =	sgt.s32 s10, $0x40;
	s24 =	ssub.s32 s21, s22;
	s21 =	smov.u32 s10  }
0x4f: {  	v62 =	vld [tilespmem:s17+$0x20];
	[tilespmem:s19+$0x1C70 ss:$0x41] =	vst.msk $0xffff, v0;
	s31 =	smulhi.u32 $0x218DEF5, s20;
	s22 =	sand.u32 s25, s10;
	s21 =	simm.s32 @!p1 $0x40  }
0x50: {  	v63 =	vld [tilespmem:s17+$0xFFFFFFC0];
	[tilespmem:s19+$0x410 ss:$0x41] =	vst.msk $0xffff, v5;
	s26 =	sadd.s32 $0xFFF0BE40, s24;
	s17 =	ssub.s32 $0xF4240, s24;
	s21 =	ssub.s32 s21, s22  }
0x51: {  	[tilespmem:s19+$0x820 ss:$0x41] =	vst.msk $0xffff, v58;
	s23 =	sshrl.u32 s31, $0xD;
	p1 =	sgt.s32 s26, $0x7F;
	s27 =	sadd.s32 $0xFFFFFFC0, s21  }
0x52: {  	[tilespmem:s19+$0xC30 ss:$0x41] =	vst.msk $0xffff, v59;
	s23 =	smul.u32 $0xF4240, s23;
	s18 =	ssub.s32 $0x80, s21;
	p2 =	sgt.s32 s27, $0x3F  }
.Ltmp4:
0x53: {  	[tilespmem:s19+$0x1040 ss:$0x41] =	vst.msk $0xffff, v60;
	s17 =	simm.s32 @p1 $0x0;
	s18 =	simm.s32 @p2 $0x0;
	(pc) =	sbr.rel .LBB1_5-.Ltmp4, $4  }
0x54: {  	s29 =	sand.u32 $0xF, s28;
	[tilespmem:s19+$0x1450 ss:$0x41] =	vst.msk $0xffff, v61;
	s20 =	ssub.s32 s20, s23;
	s17 =	smul.u32 s18, s17  }
0x55: {  	[tilespmem:s19+$0x1860 ss:$0x41] =	vst.msk $0xffff, v62;
	s21 =	sshll.u32 s30, $0x12;
	s20 =	sshll.u32 s20, $0x4;
	s18 =	sadd.s32 s5, s29  }
0x56: {  	[tilespmem:s19+$0x0 ss:$0x41] =	vst.msk $0xffff, v63;
	s31 =	sor.u32 $0x40, s21;
	s18 =	sadd.s32 s20, s18;
	s17 =	sand.u32 $0x3FFFFFFF, s17  }
0x57: {  	[hbm4b:s18+s31] =	stream.strided.scatter [tilespmem:s16], [sflag:$0x2], s17, s8, s31, $0x18;
	[tilespmem:$0x8100] =	vst v63  }
.LBB1_6:
0x58: {  	_ =	sfence.sel $0x180000  }
0x59: {  	s2 =	simm.s32 $0x1;
	[bflag:$0x0] =	sbarrier.arrive $0xFFFF  }
0x5a: {  	s31 =	simm.s32 $0x2;
	[sflag:s2] =	ssyncpa.u1 $0x1  }
0x5b: {  	[sflag:s31] =	ssyncpa.u1 $0x1  }
0x5c: {  	p0 =	sne.s32 s1, $0x0;
	_ =	strace $0x90000047  }
0x5d: {  	s0 =	sadd.s32 @!p0 $0x100000, s0;
	[bflag:$0x2] =	sbarrier.arrive $0xFFFF  }
0x5e: {  	[sflag:s0] =	ssyncadd.tile.s32 @!p0 $0x1;
	_ =	shalt  }
.Lfunc_end1:
_tile_overlayer_lowered:
.L_overlay_start_2:
0x5f: {  	(tag) =	ssettag $0x2  }
0x60: {  	s0 =	rddreg [dreg:$0x0];
	s2 =	stileid.u32  }
0x61: {  	s1 =	rddreg [dreg:$0x1];
	p0 =	sne.s32 s2, $0x0  }
0x62: {  	s3 =	rddreg [dreg:$0x2];
	[bflag:$0x3] =	sbarrier.arrive $0xFFFF;
	s2 =	simm.s32 @!p0 $0x1C01  }
0x63: {  	[timem:s3], [sflag:s2] =	dma.local @!p0 [hbm:s0], s1  }
0x64: {  	s0 =	simm.s32 @!p0 $0x1  }
0x65: {  	_ =	swait.ge @!p0 [sflag:s0], s1  }
0x66: {  	s1 =	ssub.s32 @!p0 $0x0, s1;
	[sflag:s0] =	ssyncset.done @!p0 $0x0  }
0x67: {  	[sflag:s0] =	ssyncadd.s32 @!p0 s1  }
0x68: {  	[bflag:$0x3] =	sbarrier.arrive $0xFFFF  }
0x69: {  	_ =	shalt  }

</sc_bundles>
